<compile_context>
chip_gen: v7x
topology: tpu7x:2x2x1
jax: 0.10.2.dev20260603
libtpu: 0.0.44.dev20260713+nightly
codegen_flags: <defaults>
</compile_context>

<pallas_src>
import numpy as np
import ml_dtypes

import jax
import jax.numpy as jnp
from jax import lax
from jax.experimental import pallas as pl
from jax.experimental.pallas import tpu as pltpu
from jax.experimental.pallas import tpu_sc as plsc

_B, _D, _H, _W, _C = 4, 32, 96, 96, 32
_WC = _W * _C
_NBAND = 8
_BH = _H // _NBAND
_ROWS = _BH + 1
_NV = _WC // 16
_L = 16


def _axis_taps(n):
    c = np.linspace(-1.0, 1.0, n).astype(np.float32)
    c = c.astype(ml_dtypes.bfloat16).astype(np.float32)
    z = np.float32(0.5) * ((c + np.float32(1.0)) * np.float32(n - 2))
    z0 = np.clip(np.floor(z).astype(np.int32), 0, n - 1)
    f = (z - z0.astype(np.float32)).astype(np.float32)
    off = np.arange(n, dtype=np.int32) - z0
    assert set(np.unique(off)).issubset({0, 1, 2})
    return z0, f, off


_Z0D, _FD, _OFFD = _axis_taps(_D)
assert _OFFD[0] == 0 and _FD[0] == 0.0 and (_OFFD[1:] == 1).all()
_TD = np.concatenate([[np.float32(0.0)], np.float32(1.0) - _FD[1:]]).astype(np.float32)

_Z0H, _FH, _OFFH = _axis_taps(_H)
_H_OFF0 = [int(q) for q in np.nonzero(_OFFH == 0)[0]]
_H_OFF2 = [int(q) for q in np.nonzero(_OFFH == 2)[0]]

_Z0W, _FW, _OFFW = _axis_taps(_W)
_W_OFF0 = [int(q) for q in np.nonzero(_OFFW == 0)[0]]
_W_OFF2 = [int(q) for q in np.nonzero(_OFFW == 2)[0]]

_WT_H = _D * _L
_WT_W = _WT_H + _H * _L
_WTAB = np.concatenate([
    np.repeat(_TD, _L),
    np.repeat(_FH, _L),
    np.repeat(_FW[np.arange(_NV) >> 1], _L),
]).astype(np.float32)


def _sc_body(x_ref, w_ref, o_ref, bufa, bufb, obuf, wbuf):
    cid = lax.axis_index("c")
    sid = lax.axis_index("s")
    wid = sid * 2 + cid
    b = wid // _NBAND
    band = wid % _NBAND
    j0 = band * _BH
    off = jnp.minimum(j0, 1)
    start = j0 - off

    zv = jnp.zeros((_L,), jnp.float32)

    pltpu.sync_copy(w_ref, wbuf)

    def stage_off(i):
        return pl.multiple_of(((b * _D + i) * _H + start) * _WC, _WC)

    def process_slab(i, cur, prv):
        td = wbuf[pl.ds(i * _L, _L)]

        @plsc.parallel_loop(0, _ROWS * _NV, unroll=8)
        def dpass(n):
            v = n * _L
            xc = cur[pl.ds(v, _L)]
            xp = prv[pl.ds(v, _L)]
            prv[pl.ds(v, _L)] = xc + td * (xp - xc)

        def row(jj, _):
            j = j0 + jj
            z0h = j - 1
            for q in _H_OFF0:
                z0h = z0h + (j == q).astype(jnp.int32)
            for q in _H_OFF2:
                z0h = z0h - (j == q).astype(jnp.int32)
            base_a = (z0h - start) * _WC
            base_b = base_a + _WC
            wh = wbuf[pl.ds(_WT_H + j * _L, _L)]
            obase = jj * _WC

            def hof(m):
                sa = prv[pl.ds(base_a + m * _L, _L)]
                sb = prv[pl.ds(base_b + m * _L, _L)]
                return sa + wh * (sb - sa)

            def vec(m, carry):
                h1, h2 = carry
                h = hof(m)
                ww = wbuf[pl.ds(_WT_W + m * _L, _L)]
                obuf[pl.ds(obase + m * _L, _L)] = h2 + ww * (h - h2)
                return (h, h1)

            lax.fori_loop(0, _NV, vec, (zv, zv), unroll=4)

            for k in _W_OFF0:
                fk = float(_FW[k])
                for par in (0, 1):
                    m = 2 * k + par
                    ha = hof(m)
                    hb = hof(m + 2)
                    obuf[pl.ds(obase + m * _L, _L)] = ha + fk * (hb - ha)
            for k in _W_OFF2:
                fk = float(_FW[k])
                for par in (0, 1):
                    m = 2 * k + par
                    ha = hof(m - 4)
                    hb = hof(m - 2)
                    obuf[pl.ds(obase + m * _L, _L)] = ha + fk * (hb - ha)
            return 0

        lax.fori_loop(0, _BH, row, 0)
        oofs = pl.multiple_of(((b * _D + i) * _H + j0) * _WC, _WC)
        pltpu.sync_copy(obuf, o_ref.at[pl.ds(oofs, _BH * _WC)])

    pltpu.sync_copy(x_ref.at[pl.ds(stage_off(jnp.int32(0)), _ROWS * _WC)], bufb)

    def outer(it, _):
        for p in range(2):
            i = it * 2 + p
            cur, prv = (bufa, bufb) if p == 0 else (bufb, bufa)
            pltpu.sync_copy(x_ref.at[pl.ds(stage_off(i), _ROWS * _WC)], cur)
            process_slab(i, cur, prv)
        return 0

    lax.fori_loop(0, _D // 2, outer, 0)


def kernel(x, hw):
    del hw
    x1 = x.reshape(_B * _D * _H * _WC)
    wt = jnp.asarray(_WTAB)
    mesh = plsc.VectorSubcoreMesh(core_axis_name="c", subcore_axis_name="s")
    run = pl.kernel(
        _sc_body,
        out_type=jax.ShapeDtypeStruct((_B * _D * _H * _WC,), jnp.float32),
        mesh=mesh,
        scratch_types=[
            pltpu.VMEM((_ROWS * _WC,), jnp.float32),
            pltpu.VMEM((_ROWS * _WC,), jnp.float32),
            pltpu.VMEM((_BH * _WC,), jnp.float32),
            pltpu.VMEM((_WTAB.size,), jnp.float32),
        ],
    )
    return run(x1, wt).reshape(_B, _D, _H, _W, _C)

# --- scband reference (transcript-rebuilt; emitter-appended) ---
"""Pipeline reference for scband-transform-86466281603245 (READ-ONLY COPY).

The authoritative reference and input builder live on the scoring server;
editing this copy changes nothing except your own understanding.
"""

import jax, jax.numpy as jnp
import numpy as np

B, D, H, W, C = 4, 32, 96, 96, 32


def setup_inputs(seed: int = 0):
    key = jax.random.key(seed)
    x = jax.random.normal(key, (B, D, H, W, C), dtype=jnp.float32)
    hw = jnp.array([D, H, W], dtype=jnp.int32)
    return {"x": x, "hw": hw}


def _affine_grid_generator(depth, height, width, theta):
    d = jnp.linspace(-1.0, 1.0, depth)
    h = jnp.linspace(-1.0, 1.0, height)
    w = jnp.linspace(-1.0, 1.0, width)
    # tf.meshgrid default indexing='xy' == jnp.meshgrid default
    x_t, z_t, y_t = jnp.meshgrid(h, d, w)
    x_t_flat = x_t.reshape(-1)
    y_t_flat = y_t.reshape(-1)
    z_t_flat = z_t.reshape(-1)
    ones = jnp.ones_like(x_t_flat)
    sampling_grid = jnp.stack([x_t_flat, y_t_flat, z_t_flat, ones])  # [4, N]
    num_batch = theta.shape[0]
    sampling_grid = jnp.broadcast_to(sampling_grid[None, :, :], (num_batch, 4, sampling_grid.shape[1]))
    batch_grids = jnp.matmul(theta.astype(jnp.float32), sampling_grid.astype(jnp.float32))  # [B, 3, N]
    batch_grids = batch_grids.reshape(num_batch, 3, depth, height, width)
    return batch_grids


def _get_pixel_value(img, x, y, z):
    Bn, Dn, Hn, Wn = x.shape
    b = jnp.broadcast_to(jnp.arange(Bn, dtype=jnp.int32).reshape(Bn, 1, 1, 1), (Bn, Dn, Hn, Wn))
    return img[b, z, y, x]


def _bilinear_sampler(img, x, y, z):
    Dd = img.shape[1]
    Hh = img.shape[2]
    Ww = img.shape[3]
    max_z = Dd - 1
    max_y = Hh - 1
    max_x = Ww - 1
    x = x.astype(jnp.float32)
    y = y.astype(jnp.float32)
    z = z.astype(jnp.float32)
    x = 0.5 * ((x + 1.0) * float(max_x - 1))
    y = 0.5 * ((y + 1.0) * float(max_y - 1))
    z = 0.5 * ((z + 1.0) * float(max_z - 1))
    x0 = jnp.floor(x).astype(jnp.int32)
    x1 = x0 + 1
    y0 = jnp.floor(y).astype(jnp.int32)
    y1 = y0 + 1
    z0 = jnp.floor(z).astype(jnp.int32)
    z1 = z0 + 1
    x0 = jnp.clip(x0, 0, max_x)
    x1 = jnp.clip(x1, 0, max_x)
    y0 = jnp.clip(y0, 0, max_y)
    y1 = jnp.clip(y1, 0, max_y)
    z0 = jnp.clip(z0, 0, max_z)
    z1 = jnp.clip(z1, 0, max_z)
    Ia = _get_pixel_value(img, x0, y0, z0)
    Ib = _get_pixel_value(img, x0, y1, z0)
    Ic = _get_pixel_value(img, x1, y0, z0)
    Id = _get_pixel_value(img, x1, y1, z0)
    Ie = _get_pixel_value(img, x0, y0, z1)
    If = _get_pixel_value(img, x0, y1, z1)
    Ig = _get_pixel_value(img, x1, y0, z1)
    Ih = _get_pixel_value(img, x1, y1, z1)
    x0f = x0.astype(jnp.float32)
    x1f = x1.astype(jnp.float32)
    y0f = y0.astype(jnp.float32)
    y1f = y1.astype(jnp.float32)
    z0f = z0.astype(jnp.float32)
    z1f = z1.astype(jnp.float32)
    wa = ((x1f - x) * (y1f - y) * (z1f - z))[..., None]
    wb = ((x1f - x) * (y - y0f) * (z1f - z))[..., None]
    wc = ((x - x0f) * (y1f - y) * (z1f - z))[..., None]
    wd = ((x - x0f) * (y - y0f) * (z1f - z))[..., None]
    we = ((x1f - x) * (y1f - y) * (z - z0f))[..., None]
    wf = ((x1f - x) * (y - y0f) * (z - z0f))[..., None]
    wg = ((x - x0f) * (y1f - y) * (z - z0f))[..., None]
    wh = ((x - x0f) * (y - y0f) * (z - z0f))[..., None]
    out = (wa * Ia + wb * Ib + wc * Ic + wd * Id + we * Ie + wf * If + wg * Ig + wh * Ih)
    return out


def _forward(x):
    depth, height, width = x.shape[1], x.shape[2], x.shape[3]
    theta = np.array([[[1, 0, 0, 0], [0, 1, 0, 0], [0, 0, 1, 0]]], dtype=np.float32)
    theta = jnp.asarray(np.repeat(theta, int(x.shape[0]), 0))
    gridout = _affine_grid_generator(depth, height, width, theta)
    y_s = gridout[:, 0, :, :, :]
    x_s = gridout[:, 1, :, :, :]
    z_s = gridout[:, 2, :, :, :]
    return _bilinear_sampler(x, x_s, y_s, z_s)


def reference(x, hw):
    # hw carries the static output dims (D, H, W) == input spatial dims (identity theta);
    # jit requires static shapes so they are derived from x.shape.
    return _forward(x)

if __name__ == "__main__":
    import jax
    _d = setup_inputs()
    print(jax.jit(kernel)(*tuple(_d.values())))

</pallas_src>

<mosaic_0001>
#map = affine_map<(d0, d1) -> (0)>
module attributes {stable_mosaic.version = 14 : i64} {
  func.func @_sc_body(%arg0: i32, %arg1: i32, %arg2: memref<37748736xf32, #tpu.memory_space<hbm>>, %arg3: memref<5120xf32, #tpu.memory_space<hbm>>, %arg4: memref<37748736xf32, #tpu.memory_space<hbm>>, %arg5: memref<39936xf32, #tpu.memory_space<vmem>>, %arg6: memref<39936xf32, #tpu.memory_space<vmem>>, %arg7: memref<36864xf32, #tpu.memory_space<vmem>>, %arg8: memref<5120xf32, #tpu.memory_space<vmem>>) attributes {dimension_semantics = [#tpu.dimension_semantics<core_parallel>, #tpu.dimension_semantics<subcore_parallel>], iteration_bounds = array<i64: 2, 16>, scalar_prefetch = 0 : i64, scratch_operands = 4 : i64, tpu.core_type = #tpu.core_type<sc_vector_subcore>, window_params = [{transform_indices = #map}, {transform_indices = #map}, {transform_indices = #map}]} {
    %mul3A = arith.constant 2 : i32
    %mul3A_0 = arith.muli %arg1, %mul3A : i32
    %add3A = arith.addi %mul3A_0, %arg0 : i32
    %jit3A = arith.constant 8 : i32
    %div3A = arith.divsi %add3A, %jit3A : i32
    %sign3A = arith.constant 0 : i32
    %sign3A_1 = arith.cmpi sgt, %add3A, %sign3A : i32
    %sign3A_2 = arith.extui %sign3A_1 : i1 to i32
    %sign3A_3 = arith.constant 0 : i32
    %sign3A_4 = arith.cmpi slt, %add3A, %sign3A_3 : i32
    %sign3A_5 = arith.extui %sign3A_4 : i1 to i32
    %sign3A_6 = arith.subi %sign3A_2, %sign3A_5 : i32
    %sign3A_7 = arith.constant 0 : i32
    %sign3A_8 = arith.cmpi sgt, %jit3A, %sign3A_7 : i32
    %sign3A_9 = arith.extui %sign3A_8 : i1 to i32
    %sign3A_10 = arith.constant 0 : i32
    %sign3A_11 = arith.cmpi slt, %jit3A, %sign3A_10 : i32
    %sign3A_12 = arith.extui %sign3A_11 : i1 to i32
    %sign3A_13 = arith.subi %sign3A_9, %sign3A_12 : i32
    %ne3A = arith.cmpi ne, %sign3A_6, %sign3A_13 : i32
    %rem3A = arith.remsi %add3A, %jit3A : i32
    %ne3A_14 = arith.constant 0 : i32
    %ne3A_15 = arith.cmpi ne, %rem3A, %ne3A_14 : i32
    %and3A = arith.andi %ne3A, %ne3A_15 : i1
    %sub3A = arith.constant 1 : i32
    %sub3A_16 = arith.subi %div3A, %sub3A : i32
    %select_n3A = arith.select %and3A, %sub3A_16, %div3A : i32
    %jit3A_17 = arith.constant 8 : i32
    %eq3A = arith.constant 0 : i32
    %eq3A_18 = arith.cmpi eq, %jit3A_17, %eq3A : i32
    %jit3A_19 = arith.constant 1 : i32
    %select_n3A_20 = arith.select %eq3A_18, %jit3A_19, %jit3A_17 : i32
    %rem3A_21 = arith.remsi %add3A, %select_n3A_20 : i32
    %ne3A_22 = arith.constant 0 : i32
    %ne3A_23 = arith.cmpi ne, %rem3A_21, %ne3A_22 : i32
    %lt3A = arith.constant 0 : i32
    %lt3A_24 = arith.cmpi slt, %rem3A_21, %lt3A : i32
    %lt3A_25 = arith.constant 0 : i32
    %lt3A_26 = arith.cmpi slt, %select_n3A_20, %lt3A_25 : i32
    %ne3A_27 = arith.xori %lt3A_24, %lt3A_26 : i1
    %and3A_28 = arith.andi %ne3A_27, %ne3A_23 : i1
    %add3A_29 = arith.addi %rem3A_21, %select_n3A_20 : i32
    %select_n3A_30 = arith.select %and3A_28, %add3A_29, %rem3A_21 : i32
    %mul3A_31 = arith.constant 12 : i32
    %mul3A_32 = arith.muli %select_n3A_30, %mul3A_31 : i32
    %min3A = arith.constant 1 : i32
    %min3A_33 = arith.minsi %mul3A_32, %min3A : i32
    %sub3A_34 = arith.subi %mul3A_32, %min3A_33 : i32
    %broadcast_in_dim3A = arith.constant 0.000000e+00 : f32
    %broadcast_in_dim3A_35 = vector.broadcast %broadcast_in_dim3A : f32 to vector<16xf32>
    "tpu.region"() ({
      %run_scoped3A = tpu.sem_alloc : memref<!tpu.dma_semaphore, #tpu.memory_space<semaphore_mem>>
      tpu.enqueue_dma source(%arg3 : memref<5120xf32, #tpu.memory_space<hbm>>) target(%arg8 : memref<5120xf32, #tpu.memory_space<vmem>>) target_semaphore(%run_scoped3A : memref<!tpu.dma_semaphore, #tpu.memory_space<semaphore_mem>>)
      tpu.wait_dma2 semaphore(%run_scoped3A : memref<!tpu.dma_semaphore, #tpu.memory_space<semaphore_mem>>) src(%arg3 : memref<5120xf32, #tpu.memory_space<hbm>>) dst(%arg8 : memref<5120xf32, #tpu.memory_space<vmem>>)
      tpu.yield
    }) : () -> ()
    %mul3A_36 = arith.constant 32 : i32
    %mul3A_37 = arith.muli %select_n3A, %mul3A_36 : i32
    %add3A_38 = arith.constant 0 : i32
    %add3A_39 = arith.addi %mul3A_37, %add3A_38 : i32
    %mul3A_40 = arith.constant 96 : i32
    %mul3A_41 = arith.muli %add3A_39, %mul3A_40 : i32
    %add3A_42 = arith.addi %mul3A_41, %sub3A_34 : i32
    %mul3A_43 = arith.constant 3072 : i32
    %mul3A_44 = arith.muli %add3A_42, %mul3A_43 : i32
    %multiple_of3A = tpu.assume_multiple %mul3A_44, 3072 : i32
    "tpu.region"() ({
      %run_scoped3A = tpu.sem_alloc : memref<!tpu.dma_semaphore, #tpu.memory_space<semaphore_mem>>
      %dma_start3A = tpu.memref_slice %arg2[%multiple_of3A] : memref<37748736xf32, #tpu.memory_space<hbm>> -> memref<39936xf32, #tpu.memory_space<hbm>>
      %dma_start3A_51 = tpu.memref_slice %arg2[%multiple_of3A] : memref<37748736xf32, #tpu.memory_space<hbm>> -> memref<39936xf32, #tpu.memory_space<hbm>>
      tpu.enqueue_dma source(%dma_start3A_51 : memref<39936xf32, #tpu.memory_space<hbm>>) target(%arg6 : memref<39936xf32, #tpu.memory_space<vmem>>) target_semaphore(%run_scoped3A : memref<!tpu.dma_semaphore, #tpu.memory_space<semaphore_mem>>)
      %dma_wait3A = tpu.memref_slice %arg2[%multiple_of3A] : memref<37748736xf32, #tpu.memory_space<hbm>> -> memref<39936xf32, #tpu.memory_space<hbm>>
      %dma_wait3A_52 = tpu.memref_slice %arg2[%multiple_of3A] : memref<37748736xf32, #tpu.memory_space<hbm>> -> memref<39936xf32, #tpu.memory_space<hbm>>
      tpu.wait_dma2 semaphore(%run_scoped3A : memref<!tpu.dma_semaphore, #tpu.memory_space<semaphore_mem>>) src(%dma_wait3A_52 : memref<39936xf32, #tpu.memory_space<hbm>>) dst(%arg6 : memref<39936xf32, #tpu.memory_space<vmem>>)
      tpu.yield
    }) : () -> ()
    %scan3A = arith.constant 0 : i32
    %scan3A_45 = arith.constant 0 : i32
    %scan3A_46 = arith.constant 16 : i32
    %scan3A_47 = arith.addi %scan3A_45, %scan3A_46 : i32
    %scan3A_48 = arith.constant 1 : i32
    %scan3A_49 = scf.for %scan3A_51 = %scan3A_45 to %scan3A_47 step %scan3A_48 iter_args(%scan3A_52 = %scan3A) -> (i32)  : i32 {
      %mul3A_53 = arith.constant 2 : i32
      %mul3A_54 = arith.muli %scan3A_51, %mul3A_53 : i32
      %add3A_55 = arith.constant 0 : i32
      %add3A_56 = arith.addi %mul3A_54, %add3A_55 : i32
      %mul3A_57 = arith.constant 32 : i32
      %mul3A_58 = arith.muli %select_n3A, %mul3A_57 : i32
      %add3A_59 = arith.addi %mul3A_58, %add3A_56 : i32
      %mul3A_60 = arith.constant 96 : i32
      %mul3A_61 = arith.muli %add3A_59, %mul3A_60 : i32
      %add3A_62 = arith.addi %mul3A_61, %sub3A_34 : i32
      %mul3A_63 = arith.constant 3072 : i32
      %mul3A_64 = arith.muli %add3A_62, %mul3A_63 : i32
      %multiple_of3A_65 = tpu.assume_multiple %mul3A_64, 3072 : i32
      "tpu.region"() ({
        %run_scoped3A = tpu.sem_alloc : memref<!tpu.dma_semaphore, #tpu.memory_space<semaphore_mem>>
        %dma_start3A = tpu.memref_slice %arg2[%multiple_of3A_65] : memref<37748736xf32, #tpu.memory_space<hbm>> -> memref<39936xf32, #tpu.memory_space<hbm>>
        %dma_start3A_126 = tpu.memref_slice %arg2[%multiple_of3A_65] : memref<37748736xf32, #tpu.memory_space<hbm>> -> memref<39936xf32, #tpu.memory_space<hbm>>
        tpu.enqueue_dma source(%dma_start3A_126 : memref<39936xf32, #tpu.memory_space<hbm>>) target(%arg5 : memref<39936xf32, #tpu.memory_space<vmem>>) target_semaphore(%run_scoped3A : memref<!tpu.dma_semaphore, #tpu.memory_space<semaphore_mem>>)
        %dma_wait3A = tpu.memref_slice %arg2[%multiple_of3A_65] : memref<37748736xf32, #tpu.memory_space<hbm>> -> memref<39936xf32, #tpu.memory_space<hbm>>
        %dma_wait3A_127 = tpu.memref_slice %arg2[%multiple_of3A_65] : memref<37748736xf32, #tpu.memory_space<hbm>> -> memref<39936xf32, #tpu.memory_space<hbm>>
        tpu.wait_dma2 semaphore(%run_scoped3A : memref<!tpu.dma_semaphore, #tpu.memory_space<semaphore_mem>>) src(%dma_wait3A_127 : memref<39936xf32, #tpu.memory_space<hbm>>) dst(%arg5 : memref<39936xf32, #tpu.memory_space<vmem>>)
        tpu.yield
      }) : () -> ()
      %mul3A_66 = arith.constant 16 : i32
      %mul3A_67 = arith.muli %add3A_56, %mul3A_66 : i32
      %get3A = arith.index_cast %mul3A_67 : i32 to index
      %get3A_68 = tpu.vector_load %arg8[%get3A] {strides = array<i32>} : memref<5120xf32, #tpu.memory_space<vmem>>, vector<16xf32>,
      %get3A_69 = vector.shape_cast %get3A_68 : vector<16xf32> to vector<16xf32>
      %parallel_loop3A = arith.constant 0 : i32
      %parallel_loop3A_70 = arith.constant 2496 : i32
      %parallel_loop3A_71 = arith.constant 1 : i32
      scf.for %parallel_loop3A_126 = %parallel_loop3A to %parallel_loop3A_70 step %parallel_loop3A_71  : i32 {
        %parallel_loop3A_127 = arith.constant 16 : i32
        %parallel_loop3A_128 = arith.muli %parallel_loop3A_126, %parallel_loop3A_127 : i32
        %parallel_loop3A_129 = arith.index_cast %parallel_loop3A_128 : i32 to index
        %parallel_loop3A_130 = tpu.vector_load %arg5[%parallel_loop3A_129] {strides = array<i32>} : memref<39936xf32, #tpu.memory_space<vmem>>, vector<16xf32>,
        %parallel_loop3A_131 = vector.shape_cast %parallel_loop3A_130 : vector<16xf32> to vector<16xf32>
        %parallel_loop3A_132 = arith.index_cast %parallel_loop3A_128 : i32 to index
        %parallel_loop3A_133 = tpu.vector_load %arg6[%parallel_loop3A_132] {strides = array<i32>} : memref<39936xf32, #tpu.memory_space<vmem>>, vector<16xf32>,
        %parallel_loop3A_134 = vector.shape_cast %parallel_loop3A_133 : vector<16xf32> to vector<16xf32>
        %parallel_loop3A_135 = arith.subf %parallel_loop3A_134, %parallel_loop3A_131 : vector<16xf32>
        %parallel_loop3A_136 = arith.mulf %get3A_69, %parallel_loop3A_135 : vector<16xf32>
        %parallel_loop3A_137 = arith.addf %parallel_loop3A_131, %parallel_loop3A_136 : vector<16xf32>
        %parallel_loop3A_138 = arith.index_cast %parallel_loop3A_128 : i32 to index
        %parallel_loop3A_139 = tpu.vector_load %arg6[%parallel_loop3A_138] {strides = array<i32>} : memref<39936xf32, #tpu.memory_space<vmem>>, vector<16xf32>,
        %parallel_loop3A_140 = vector.shape_cast %parallel_loop3A_139 : vector<16xf32> to vector<16xf32>
        %parallel_loop3A_141 = vector.shape_cast %parallel_loop3A_137 : vector<16xf32> to vector<16xf32>
        tpu.vector_store %arg6[%parallel_loop3A_138], %parallel_loop3A_141 {strides = array<i32>} : memref<39936xf32, #tpu.memory_space<vmem>>, vector<16xf32>,
      } {sc.loop_unroll_factor = 8 : i64, sc.parallel_access}
      %scan3A_72 = arith.constant 0 : i32
      %scan3A_73 = arith.constant 0 : i32
      %scan3A_74 = arith.constant 12 : i32
      %scan3A_75 = arith.addi %scan3A_73, %scan3A_74 : i32
      %scan3A_76 = arith.constant 1 : i32
      %scan3A_77 = scf.for %scan3A_126 = %scan3A_73 to %scan3A_75 step %scan3A_76 iter_args(%scan3A_127 = %scan3A_72) -> (i32)  : i32 {
        %add3A_128 = arith.addi %mul3A_32, %scan3A_126 : i32
        %sub3A_129 = arith.constant 1 : i32
        %sub3A_130 = arith.subi %add3A_128, %sub3A_129 : i32
        %eq3A_131 = arith.constant 0 : i32
        %eq3A_132 = arith.cmpi eq, %add3A_128, %eq3A_131 : i32
        %convert_element_type3A = arith.extui %eq3A_132 : i1 to i32
        %add3A_133 = arith.addi %sub3A_130, %convert_element_type3A : i32
        %eq3A_134 = arith.constant 2 : i32
        %eq3A_135 = arith.cmpi eq, %add3A_128, %eq3A_134 : i32
        %convert_element_type3A_136 = arith.extui %eq3A_135 : i1 to i32
        %add3A_137 = arith.addi %add3A_133, %convert_element_type3A_136 : i32
        %eq3A_138 = arith.constant 4 : i32
        %eq3A_139 = arith.cmpi eq, %add3A_128, %eq3A_138 : i32
        %convert_element_type3A_140 = arith.extui %eq3A_139 : i1 to i32
        %add3A_141 = arith.addi %add3A_137, %convert_element_type3A_140 : i32
        %eq3A_142 = arith.constant 91 : i32
        %eq3A_143 = arith.cmpi eq, %add3A_128, %eq3A_142 : i32
        %convert_element_type3A_144 = arith.extui %eq3A_143 : i1 to i32
        %sub3A_145 = arith.subi %add3A_141, %convert_element_type3A_144 : i32
        %eq3A_146 = arith.constant 93 : i32
        %eq3A_147 = arith.cmpi eq, %add3A_128, %eq3A_146 : i32
        %convert_element_type3A_148 = arith.extui %eq3A_147 : i1 to i32
        %sub3A_149 = arith.subi %sub3A_145, %convert_element_type3A_148 : i32
        %sub3A_150 = arith.subi %sub3A_149, %sub3A_34 : i32
        %mul3A_151 = arith.constant 3072 : i32
        %mul3A_152 = arith.muli %sub3A_150, %mul3A_151 : i32
        %add3A_153 = arith.constant 3072 : i32
        %add3A_154 = arith.addi %mul3A_152, %add3A_153 : i32
        %mul3A_155 = arith.constant 16 : i32
        %mul3A_156 = arith.muli %add3A_128, %mul3A_155 : i32
        %add3A_157 = arith.constant 512 : i32
        %add3A_158 = arith.addi %add3A_157, %mul3A_156 : i32
        %get3A_159 = arith.index_cast %add3A_158 : i32 to index
        %get3A_160 = tpu.vector_load %arg8[%get3A_159] {strides = array<i32>} : memref<5120xf32, #tpu.memory_space<vmem>>, vector<16xf32>,
        %get3A_161 = vector.shape_cast %get3A_160 : vector<16xf32> to vector<16xf32>
        %mul3A_162 = arith.constant 3072 : i32
        %mul3A_163 = arith.muli %scan3A_126, %mul3A_162 : i32
        %scan3A_164 = arith.constant 0 : i32
        %scan3A_165 = arith.constant 192 : i32
        %scan3A_166 = arith.addi %scan3A_164, %scan3A_165 : i32
        %scan3A_167 = arith.constant 4 : i32
        %scan3A_168:2 = scf.for %scan3A_540 = %scan3A_164 to %scan3A_166 step %scan3A_167 iter_args(%scan3A_541 = %broadcast_in_dim3A_35, %scan3A_542 = %broadcast_in_dim3A_35) -> (vector<16xf32>, vector<16xf32>)  : i32 {
          %mul3A_543 = arith.constant 16 : i32
          %mul3A_544 = arith.muli %scan3A_540, %mul3A_543 : i32
          %add3A_545 = arith.addi %mul3A_152, %mul3A_544 : i32
          %get3A_546 = arith.index_cast %add3A_545 : i32 to index
          %get3A_547 = tpu.vector_load %arg6[%get3A_546] {strides = array<i32>} : memref<39936xf32, #tpu.memory_space<vmem>>, vector<16xf32>,
          %get3A_548 = vector.shape_cast %get3A_547 : vector<16xf32> to vector<16xf32>
          %mul3A_549 = arith.constant 16 : i32
          %mul3A_550 = arith.muli %scan3A_540, %mul3A_549 : i32
          %add3A_551 = arith.addi %add3A_154, %mul3A_550 : i32
          %get3A_552 = arith.index_cast %add3A_551 : i32 to index
          %get3A_553 = tpu.vector_load %arg6[%get3A_552] {strides = array<i32>} : memref<39936xf32, #tpu.memory_space<vmem>>, vector<16xf32>,
          %get3A_554 = vector.shape_cast %get3A_553 : vector<16xf32> to vector<16xf32>
          %sub3A_555 = arith.subf %get3A_554, %get3A_548 : vector<16xf32>
          %mul3A_556 = arith.mulf %get3A_161, %sub3A_555 : vector<16xf32>
          %add3A_557 = arith.addf %get3A_548, %mul3A_556 : vector<16xf32>
          %mul3A_558 = arith.constant 16 : i32
          %mul3A_559 = arith.muli %scan3A_540, %mul3A_558 : i32
          %add3A_560 = arith.constant 2048 : i32
          %add3A_561 = arith.addi %add3A_560, %mul3A_559 : i32
          %get3A_562 = arith.index_cast %add3A_561 : i32 to index
          %get3A_563 = tpu.vector_load %arg8[%get3A_562] {strides = array<i32>} : memref<5120xf32, #tpu.memory_space<vmem>>, vector<16xf32>,
          %get3A_564 = vector.shape_cast %get3A_563 : vector<16xf32> to vector<16xf32>
          %sub3A_565 = arith.subf %add3A_557, %scan3A_542 : vector<16xf32>
          %mul3A_566 = arith.mulf %get3A_564, %sub3A_565 : vector<16xf32>
          %add3A_567 = arith.addf %scan3A_542, %mul3A_566 : vector<16xf32>
          %mul3A_568 = arith.constant 16 : i32
          %mul3A_569 = arith.muli %scan3A_540, %mul3A_568 : i32
          %add3A_570 = arith.addi %mul3A_163, %mul3A_569 : i32
          %swap3A_571 = arith.index_cast %add3A_570 : i32 to index
          %swap3A_572 = tpu.vector_load %arg7[%swap3A_571] {strides = array<i32>} : memref<36864xf32, #tpu.memory_space<vmem>>, vector<16xf32>,
          %swap3A_573 = vector.shape_cast %swap3A_572 : vector<16xf32> to vector<16xf32>
          %swap3A_574 = vector.shape_cast %add3A_567 : vector<16xf32> to vector<16xf32>
          tpu.vector_store %arg7[%swap3A_571], %swap3A_574 {strides = array<i32>} : memref<36864xf32, #tpu.memory_space<vmem>>, vector<16xf32>,
          %scan3A_575 = arith.constant 1 : i32
          %scan3A_576 = arith.addi %scan3A_540, %scan3A_575 : i32
          %mul3A_577 = arith.constant 16 : i32
          %mul3A_578 = arith.muli %scan3A_576, %mul3A_577 : i32
          %add3A_579 = arith.addi %mul3A_152, %mul3A_578 : i32
          %get3A_580 = arith.index_cast %add3A_579 : i32 to index
          %get3A_581 = tpu.vector_load %arg6[%get3A_580] {strides = array<i32>} : memref<39936xf32, #tpu.memory_space<vmem>>, vector<16xf32>,
          %get3A_582 = vector.shape_cast %get3A_581 : vector<16xf32> to vector<16xf32>
          %mul3A_583 = arith.constant 16 : i32
          %mul3A_584 = arith.muli %scan3A_576, %mul3A_583 : i32
          %add3A_585 = arith.addi %add3A_154, %mul3A_584 : i32
          %get3A_586 = arith.index_cast %add3A_585 : i32 to index
          %get3A_587 = tpu.vector_load %arg6[%get3A_586] {strides = array<i32>} : memref<39936xf32, #tpu.memory_space<vmem>>, vector<16xf32>,
          %get3A_588 = vector.shape_cast %get3A_587 : vector<16xf32> to vector<16xf32>
          %sub3A_589 = arith.subf %get3A_588, %get3A_582 : vector<16xf32>
          %mul3A_590 = arith.mulf %get3A_161, %sub3A_589 : vector<16xf32>
          %add3A_591 = arith.addf %get3A_582, %mul3A_590 : vector<16xf32>
          %mul3A_592 = arith.constant 16 : i32
          %mul3A_593 = arith.muli %scan3A_576, %mul3A_592 : i32
          %add3A_594 = arith.constant 2048 : i32
          %add3A_595 = arith.addi %add3A_594, %mul3A_593 : i32
          %get3A_596 = arith.index_cast %add3A_595 : i32 to index
          %get3A_597 = tpu.vector_load %arg8[%get3A_596] {strides = array<i32>} : memref<5120xf32, #tpu.memory_space<vmem>>, vector<16xf32>,
          %get3A_598 = vector.shape_cast %get3A_597 : vector<16xf32> to vector<16xf32>
          %sub3A_599 = arith.subf %add3A_591, %scan3A_541 : vector<16xf32>
          %mul3A_600 = arith.mulf %get3A_598, %sub3A_599 : vector<16xf32>
          %add3A_601 = arith.addf %scan3A_541, %mul3A_600 : vector<16xf32>
          %mul3A_602 = arith.constant 16 : i32
          %mul3A_603 = arith.muli %scan3A_576, %mul3A_602 : i32
          %add3A_604 = arith.addi %mul3A_163, %mul3A_603 : i32
          %swap3A_605 = arith.index_cast %add3A_604 : i32 to index
          %swap3A_606 = tpu.vector_load %arg7[%swap3A_605] {strides = array<i32>} : memref<36864xf32, #tpu.memory_space<vmem>>, vector<16xf32>,
          %swap3A_607 = vector.shape_cast %swap3A_606 : vector<16xf32> to vector<16xf32>
          %swap3A_608 = vector.shape_cast %add3A_601 : vector<16xf32> to vector<16xf32>
          tpu.vector_store %arg7[%swap3A_605], %swap3A_608 {strides = array<i32>} : memref<36864xf32, #tpu.memory_space<vmem>>, vector<16xf32>,
          %scan3A_609 = arith.constant 2 : i32
          %scan3A_610 = arith.addi %scan3A_540, %scan3A_609 : i32
          %mul3A_611 = arith.constant 16 : i32
          %mul3A_612 = arith.muli %scan3A_610, %mul3A_611 : i32
          %add3A_613 = arith.addi %mul3A_152, %mul3A_612 : i32
          %get3A_614 = arith.index_cast %add3A_613 : i32 to index
          %get3A_615 = tpu.vector_load %arg6[%get3A_614] {strides = array<i32>} : memref<39936xf32, #tpu.memory_space<vmem>>, vector<16xf32>,
          %get3A_616 = vector.shape_cast %get3A_615 : vector<16xf32> to vector<16xf32>
          %mul3A_617 = arith.constant 16 : i32
          %mul3A_618 = arith.muli %scan3A_610, %mul3A_617 : i32
          %add3A_619 = arith.addi %add3A_154, %mul3A_618 : i32
          %get3A_620 = arith.index_cast %add3A_619 : i32 to index
          %get3A_621 = tpu.vector_load %arg6[%get3A_620] {strides = array<i32>} : memref<39936xf32, #tpu.memory_space<vmem>>, vector<16xf32>,
          %get3A_622 = vector.shape_cast %get3A_621 : vector<16xf32> to vector<16xf32>
          %sub3A_623 = arith.subf %get3A_622, %get3A_616 : vector<16xf32>
          %mul3A_624 = arith.mulf %get3A_161, %sub3A_623 : vector<16xf32>
          %add3A_625 = arith.addf %get3A_616, %mul3A_624 : vector<16xf32>
          %mul3A_626 = arith.constant 16 : i32
          %mul3A_627 = arith.muli %scan3A_610, %mul3A_626 : i32
          %add3A_628 = arith.constant 2048 : i32
          %add3A_629 = arith.addi %add3A_628, %mul3A_627 : i32
          %get3A_630 = arith.index_cast %add3A_629 : i32 to index
          %get3A_631 = tpu.vector_load %arg8[%get3A_630] {strides = array<i32>} : memref<5120xf32, #tpu.memory_space<vmem>>, vector<16xf32>,
          %get3A_632 = vector.shape_cast %get3A_631 : vector<16xf32> to vector<16xf32>
          %sub3A_633 = arith.subf %add3A_625, %add3A_557 : vector<16xf32>
          %mul3A_634 = arith.mulf %get3A_632, %sub3A_633 : vector<16xf32>
          %add3A_635 = arith.addf %add3A_557, %mul3A_634 : vector<16xf32>
          %mul3A_636 = arith.constant 16 : i32
          %mul3A_637 = arith.muli %scan3A_610, %mul3A_636 : i32
          %add3A_638 = arith.addi %mul3A_163, %mul3A_637 : i32
          %swap3A_639 = arith.index_cast %add3A_638 : i32 to index
          %swap3A_640 = tpu.vector_load %arg7[%swap3A_639] {strides = array<i32>} : memref<36864xf32, #tpu.memory_space<vmem>>, vector<16xf32>,
          %swap3A_641 = vector.shape_cast %swap3A_640 : vector<16xf32> to vector<16xf32>
          %swap3A_642 = vector.shape_cast %add3A_635 : vector<16xf32> to vector<16xf32>
          tpu.vector_store %arg7[%swap3A_639], %swap3A_642 {strides = array<i32>} : memref<36864xf32, #tpu.memory_space<vmem>>, vector<16xf32>,
          %scan3A_643 = arith.constant 3 : i32
          %scan3A_644 = arith.addi %scan3A_540, %scan3A_643 : i32
          %mul3A_645 = arith.constant 16 : i32
          %mul3A_646 = arith.muli %scan3A_644, %mul3A_645 : i32
          %add3A_647 = arith.addi %mul3A_152, %mul3A_646 : i32
          %get3A_648 = arith.index_cast %add3A_647 : i32 to index
          %get3A_649 = tpu.vector_load %arg6[%get3A_648] {strides = array<i32>} : memref<39936xf32, #tpu.memory_space<vmem>>, vector<16xf32>,
          %get3A_650 = vector.shape_cast %get3A_649 : vector<16xf32> to vector<16xf32>
          %mul3A_651 = arith.constant 16 : i32
          %mul3A_652 = arith.muli %scan3A_644, %mul3A_651 : i32
          %add3A_653 = arith.addi %add3A_154, %mul3A_652 : i32
          %get3A_654 = arith.index_cast %add3A_653 : i32 to index
          %get3A_655 = tpu.vector_load %arg6[%get3A_654] {strides = array<i32>} : memref<39936xf32, #tpu.memory_space<vmem>>, vector<16xf32>,
          %get3A_656 = vector.shape_cast %get3A_655 : vector<16xf32> to vector<16xf32>
          %sub3A_657 = arith.subf %get3A_656, %get3A_650 : vector<16xf32>
          %mul3A_658 = arith.mulf %get3A_161, %sub3A_657 : vector<16xf32>
          %add3A_659 = arith.addf %get3A_650, %mul3A_658 : vector<16xf32>
          %mul3A_660 = arith.constant 16 : i32
          %mul3A_661 = arith.muli %scan3A_644, %mul3A_660 : i32
          %add3A_662 = arith.constant 2048 : i32
          %add3A_663 = arith.addi %add3A_662, %mul3A_661 : i32
          %get3A_664 = arith.index_cast %add3A_663 : i32 to index
          %get3A_665 = tpu.vector_load %arg8[%get3A_664] {strides = array<i32>} : memref<5120xf32, #tpu.memory_space<vmem>>, vector<16xf32>,
          %get3A_666 = vector.shape_cast %get3A_665 : vector<16xf32> to vector<16xf32>
          %sub3A_667 = arith.subf %add3A_659, %add3A_591 : vector<16xf32>
          %mul3A_668 = arith.mulf %get3A_666, %sub3A_667 : vector<16xf32>
          %add3A_669 = arith.addf %add3A_591, %mul3A_668 : vector<16xf32>
          %mul3A_670 = arith.constant 16 : i32
          %mul3A_671 = arith.muli %scan3A_644, %mul3A_670 : i32
          %add3A_672 = arith.addi %mul3A_163, %mul3A_671 : i32
          %swap3A_673 = arith.index_cast %add3A_672 : i32 to index
          %swap3A_674 = tpu.vector_load %arg7[%swap3A_673] {strides = array<i32>} : memref<36864xf32, #tpu.memory_space<vmem>>, vector<16xf32>,
          %swap3A_675 = vector.shape_cast %swap3A_674 : vector<16xf32> to vector<16xf32>
          %swap3A_676 = vector.shape_cast %add3A_669 : vector<16xf32> to vector<16xf32>
          tpu.vector_store %arg7[%swap3A_673], %swap3A_676 {strides = array<i32>} : memref<36864xf32, #tpu.memory_space<vmem>>, vector<16xf32>,
          scf.yield %add3A_659, %add3A_625 : vector<16xf32>, vector<16xf32>
        }
        %scan3A_169 = arith.constant 192 : i32
        %add3A_170 = arith.constant 0 : i32
        %add3A_171 = arith.addi %mul3A_152, %add3A_170 : i32
        %get3A_172 = arith.index_cast %add3A_171 : i32 to index
        %get3A_173 = tpu.vector_load %arg6[%get3A_172] {strides = array<i32>} : memref<39936xf32, #tpu.memory_space<vmem>>, vector<16xf32>,
        %get3A_174 = vector.shape_cast %get3A_173 : vector<16xf32> to vector<16xf32>
        %add3A_175 = arith.constant 0 : i32
        %add3A_176 = arith.addi %add3A_154, %add3A_175 : i32
        %get3A_177 = arith.index_cast %add3A_176 : i32 to index
        %get3A_178 = tpu.vector_load %arg6[%get3A_177] {strides = array<i32>} : memref<39936xf32, #tpu.memory_space<vmem>>, vector<16xf32>,
        %get3A_179 = vector.shape_cast %get3A_178 : vector<16xf32> to vector<16xf32>
        %sub3A_180 = arith.subf %get3A_179, %get3A_174 : vector<16xf32>
        %mul3A_181 = arith.mulf %get3A_161, %sub3A_180 : vector<16xf32>
        %add3A_182 = arith.addf %get3A_174, %mul3A_181 : vector<16xf32>
        %add3A_183 = arith.constant 32 : i32
        %add3A_184 = arith.addi %mul3A_152, %add3A_183 : i32
        %get3A_185 = arith.index_cast %add3A_184 : i32 to index
        %get3A_186 = tpu.vector_load %arg6[%get3A_185] {strides = array<i32>} : memref<39936xf32, #tpu.memory_space<vmem>>, vector<16xf32>,
        %get3A_187 = vector.shape_cast %get3A_186 : vector<16xf32> to vector<16xf32>
        %add3A_188 = arith.constant 32 : i32
        %add3A_189 = arith.addi %add3A_154, %add3A_188 : i32
        %get3A_190 = arith.index_cast %add3A_189 : i32 to index
        %get3A_191 = tpu.vector_load %arg6[%get3A_190] {strides = array<i32>} : memref<39936xf32, #tpu.memory_space<vmem>>, vector<16xf32>,
        %get3A_192 = vector.shape_cast %get3A_191 : vector<16xf32> to vector<16xf32>
        %sub3A_193 = arith.subf %get3A_192, %get3A_187 : vector<16xf32>
        %mul3A_194 = arith.mulf %get3A_161, %sub3A_193 : vector<16xf32>
        %add3A_195 = arith.addf %get3A_187, %mul3A_194 : vector<16xf32>
        %sub3A_196 = arith.subf %add3A_195, %add3A_182 : vector<16xf32>
        %mul3A_197 = arith.constant 0.000000e+00 : f32
        %mul3A_198 = vector.broadcast %mul3A_197 : f32 to vector<16xf32>
        %mul3A_199 = arith.mulf %mul3A_198, %sub3A_196 : vector<16xf32>
        %add3A_200 = arith.addf %add3A_182, %mul3A_199 : vector<16xf32>
        %add3A_201 = arith.constant 0 : i32
        %add3A_202 = arith.addi %mul3A_163, %add3A_201 : i32
        %swap3A = arith.index_cast %add3A_202 : i32 to index
        %swap3A_203 = tpu.vector_load %arg7[%swap3A] {strides = array<i32>} : memref<36864xf32, #tpu.memory_space<vmem>>, vector<16xf32>,
        %swap3A_204 = vector.shape_cast %swap3A_203 : vector<16xf32> to vector<16xf32>
        %swap3A_205 = vector.shape_cast %add3A_200 : vector<16xf32> to vector<16xf32>
        tpu.vector_store %arg7[%swap3A], %swap3A_205 {strides = array<i32>} : memref<36864xf32, #tpu.memory_space<vmem>>, vector<16xf32>,
        %add3A_206 = arith.constant 16 : i32
        %add3A_207 = arith.addi %mul3A_152, %add3A_206 : i32
        %get3A_208 = arith.index_cast %add3A_207 : i32 to index
        %get3A_209 = tpu.vector_load %arg6[%get3A_208] {strides = array<i32>} : memref<39936xf32, #tpu.memory_space<vmem>>, vector<16xf32>,
        %get3A_210 = vector.shape_cast %get3A_209 : vector<16xf32> to vector<16xf32>
        %add3A_211 = arith.constant 16 : i32
        %add3A_212 = arith.addi %add3A_154, %add3A_211 : i32
        %get3A_213 = arith.index_cast %add3A_212 : i32 to index
        %get3A_214 = tpu.vector_load %arg6[%get3A_213] {strides = array<i32>} : memref<39936xf32, #tpu.memory_space<vmem>>, vector<16xf32>,
        %get3A_215 = vector.shape_cast %get3A_214 : vector<16xf32> to vector<16xf32>
        %sub3A_216 = arith.subf %get3A_215, %get3A_210 : vector<16xf32>
        %mul3A_217 = arith.mulf %get3A_161, %sub3A_216 : vector<16xf32>
        %add3A_218 = arith.addf %get3A_210, %mul3A_217 : vector<16xf32>
        %add3A_219 = arith.constant 48 : i32
        %add3A_220 = arith.addi %mul3A_152, %add3A_219 : i32
        %get3A_221 = arith.index_cast %add3A_220 : i32 to index
        %get3A_222 = tpu.vector_load %arg6[%get3A_221] {strides = array<i32>} : memref<39936xf32, #tpu.memory_space<vmem>>, vector<16xf32>,
        %get3A_223 = vector.shape_cast %get3A_222 : vector<16xf32> to vector<16xf32>
        %add3A_224 = arith.constant 48 : i32
        %add3A_225 = arith.addi %add3A_154, %add3A_224 : i32
        %get3A_226 = arith.index_cast %add3A_225 : i32 to index
        %get3A_227 = tpu.vector_load %arg6[%get3A_226] {strides = array<i32>} : memref<39936xf32, #tpu.memory_space<vmem>>, vector<16xf32>,
        %get3A_228 = vector.shape_cast %get3A_227 : vector<16xf32> to vector<16xf32>
        %sub3A_229 = arith.subf %get3A_228, %get3A_223 : vector<16xf32>
        %mul3A_230 = arith.mulf %get3A_161, %sub3A_229 : vector<16xf32>
        %add3A_231 = arith.addf %get3A_223, %mul3A_230 : vector<16xf32>
        %sub3A_232 = arith.subf %add3A_231, %add3A_218 : vector<16xf32>
        %mul3A_233 = arith.constant 0.000000e+00 : f32
        %mul3A_234 = vector.broadcast %mul3A_233 : f32 to vector<16xf32>
        %mul3A_235 = arith.mulf %mul3A_234, %sub3A_232 : vector<16xf32>
        %add3A_236 = arith.addf %add3A_218, %mul3A_235 : vector<16xf32>
        %add3A_237 = arith.constant 16 : i32
        %add3A_238 = arith.addi %mul3A_163, %add3A_237 : i32
        %swap3A_239 = arith.index_cast %add3A_238 : i32 to index
        %swap3A_240 = tpu.vector_load %arg7[%swap3A_239] {strides = array<i32>} : memref<36864xf32, #tpu.memory_space<vmem>>, vector<16xf32>,
        %swap3A_241 = vector.shape_cast %swap3A_240 : vector<16xf32> to vector<16xf32>
        %swap3A_242 = vector.shape_cast %add3A_236 : vector<16xf32> to vector<16xf32>
        tpu.vector_store %arg7[%swap3A_239], %swap3A_242 {strides = array<i32>} : memref<36864xf32, #tpu.memory_space<vmem>>, vector<16xf32>,
        %add3A_243 = arith.constant 64 : i32
        %add3A_244 = arith.addi %mul3A_152, %add3A_243 : i32
        %get3A_245 = arith.index_cast %add3A_244 : i32 to index
        %get3A_246 = tpu.vector_load %arg6[%get3A_245] {strides = array<i32>} : memref<39936xf32, #tpu.memory_space<vmem>>, vector<16xf32>,
        %get3A_247 = vector.shape_cast %get3A_246 : vector<16xf32> to vector<16xf32>
        %add3A_248 = arith.constant 64 : i32
        %add3A_249 = arith.addi %add3A_154, %add3A_248 : i32
        %get3A_250 = arith.index_cast %add3A_249 : i32 to index
        %get3A_251 = tpu.vector_load %arg6[%get3A_250] {strides = array<i32>} : memref<39936xf32, #tpu.memory_space<vmem>>, vector<16xf32>,
        %get3A_252 = vector.shape_cast %get3A_251 : vector<16xf32> to vector<16xf32>
        %sub3A_253 = arith.subf %get3A_252, %get3A_247 : vector<16xf32>
        %mul3A_254 = arith.mulf %get3A_161, %sub3A_253 : vector<16xf32>
        %add3A_255 = arith.addf %get3A_247, %mul3A_254 : vector<16xf32>
        %add3A_256 = arith.constant 96 : i32
        %add3A_257 = arith.addi %mul3A_152, %add3A_256 : i32
        %get3A_258 = arith.index_cast %add3A_257 : i32 to index
        %get3A_259 = tpu.vector_load %arg6[%get3A_258] {strides = array<i32>} : memref<39936xf32, #tpu.memory_space<vmem>>, vector<16xf32>,
        %get3A_260 = vector.shape_cast %get3A_259 : vector<16xf32> to vector<16xf32>
        %add3A_261 = arith.constant 96 : i32
        %add3A_262 = arith.addi %add3A_154, %add3A_261 : i32
        %get3A_263 = arith.index_cast %add3A_262 : i32 to index
        %get3A_264 = tpu.vector_load %arg6[%get3A_263] {strides = array<i32>} : memref<39936xf32, #tpu.memory_space<vmem>>, vector<16xf32>,
        %get3A_265 = vector.shape_cast %get3A_264 : vector<16xf32> to vector<16xf32>
        %sub3A_266 = arith.subf %get3A_265, %get3A_260 : vector<16xf32>
        %mul3A_267 = arith.mulf %get3A_161, %sub3A_266 : vector<16xf32>
        %add3A_268 = arith.addf %get3A_260, %mul3A_267 : vector<16xf32>
        %sub3A_269 = arith.subf %add3A_268, %add3A_255 : vector<16xf32>
        %mul3A_270 = arith.constant 0.01953125 : f32
        %mul3A_271 = vector.broadcast %mul3A_270 : f32 to vector<16xf32>
        %mul3A_272 = arith.mulf %mul3A_271, %sub3A_269 : vector<16xf32>
        %add3A_273 = arith.addf %add3A_255, %mul3A_272 : vector<16xf32>
        %add3A_274 = arith.constant 64 : i32
        %add3A_275 = arith.addi %mul3A_163, %add3A_274 : i32
        %swap3A_276 = arith.index_cast %add3A_275 : i32 to index
        %swap3A_277 = tpu.vector_load %arg7[%swap3A_276] {strides = array<i32>} : memref<36864xf32, #tpu.memory_space<vmem>>, vector<16xf32>,
        %swap3A_278 = vector.shape_cast %swap3A_277 : vector<16xf32> to vector<16xf32>
        %swap3A_279 = vector.shape_cast %add3A_273 : vector<16xf32> to vector<16xf32>
        tpu.vector_store %arg7[%swap3A_276], %swap3A_279 {strides = array<i32>} : memref<36864xf32, #tpu.memory_space<vmem>>, vector<16xf32>,
        %add3A_280 = arith.constant 80 : i32
        %add3A_281 = arith.addi %mul3A_152, %add3A_280 : i32
        %get3A_282 = arith.index_cast %add3A_281 : i32 to index
        %get3A_283 = tpu.vector_load %arg6[%get3A_282] {strides = array<i32>} : memref<39936xf32, #tpu.memory_space<vmem>>, vector<16xf32>,
        %get3A_284 = vector.shape_cast %get3A_283 : vector<16xf32> to vector<16xf32>
        %add3A_285 = arith.constant 80 : i32
        %add3A_286 = arith.addi %add3A_154, %add3A_285 : i32
        %get3A_287 = arith.index_cast %add3A_286 : i32 to index
        %get3A_288 = tpu.vector_load %arg6[%get3A_287] {strides = array<i32>} : memref<39936xf32, #tpu.memory_space<vmem>>, vector<16xf32>,
        %get3A_289 = vector.shape_cast %get3A_288 : vector<16xf32> to vector<16xf32>
        %sub3A_290 = arith.subf %get3A_289, %get3A_284 : vector<16xf32>
        %mul3A_291 = arith.mulf %get3A_161, %sub3A_290 : vector<16xf32>
        %add3A_292 = arith.addf %get3A_284, %mul3A_291 : vector<16xf32>
        %add3A_293 = arith.constant 112 : i32
        %add3A_294 = arith.addi %mul3A_152, %add3A_293 : i32
        %get3A_295 = arith.index_cast %add3A_294 : i32 to index
        %get3A_296 = tpu.vector_load %arg6[%get3A_295] {strides = array<i32>} : memref<39936xf32, #tpu.memory_space<vmem>>, vector<16xf32>,
        %get3A_297 = vector.shape_cast %get3A_296 : vector<16xf32> to vector<16xf32>
        %add3A_298 = arith.constant 112 : i32
        %add3A_299 = arith.addi %add3A_154, %add3A_298 : i32
        %get3A_300 = arith.index_cast %add3A_299 : i32 to index
        %get3A_301 = tpu.vector_load %arg6[%get3A_300] {strides = array<i32>} : memref<39936xf32, #tpu.memory_space<vmem>>, vector<16xf32>,
        %get3A_302 = vector.shape_cast %get3A_301 : vector<16xf32> to vector<16xf32>
        %sub3A_303 = arith.subf %get3A_302, %get3A_297 : vector<16xf32>
        %mul3A_304 = arith.mulf %get3A_161, %sub3A_303 : vector<16xf32>
        %add3A_305 = arith.addf %get3A_297, %mul3A_304 : vector<16xf32>
        %sub3A_306 = arith.subf %add3A_305, %add3A_292 : vector<16xf32>
        %mul3A_307 = arith.constant 0.01953125 : f32
        %mul3A_308 = vector.broadcast %mul3A_307 : f32 to vector<16xf32>
        %mul3A_309 = arith.mulf %mul3A_308, %sub3A_306 : vector<16xf32>
        %add3A_310 = arith.addf %add3A_292, %mul3A_309 : vector<16xf32>
        %add3A_311 = arith.constant 80 : i32
        %add3A_312 = arith.addi %mul3A_163, %add3A_311 : i32
        %swap3A_313 = arith.index_cast %add3A_312 : i32 to index
        %swap3A_314 = tpu.vector_load %arg7[%swap3A_313] {strides = array<i32>} : memref<36864xf32, #tpu.memory_space<vmem>>, vector<16xf32>,
        %swap3A_315 = vector.shape_cast %swap3A_314 : vector<16xf32> to vector<16xf32>
        %swap3A_316 = vector.shape_cast %add3A_310 : vector<16xf32> to vector<16xf32>
        tpu.vector_store %arg7[%swap3A_313], %swap3A_316 {strides = array<i32>} : memref<36864xf32, #tpu.memory_space<vmem>>, vector<16xf32>,
        %add3A_317 = arith.constant 128 : i32
        %add3A_318 = arith.addi %mul3A_152, %add3A_317 : i32
        %get3A_319 = arith.index_cast %add3A_318 : i32 to index
        %get3A_320 = tpu.vector_load %arg6[%get3A_319] {strides = array<i32>} : memref<39936xf32, #tpu.memory_space<vmem>>, vector<16xf32>,
        %get3A_321 = vector.shape_cast %get3A_320 : vector<16xf32> to vector<16xf32>
        %add3A_322 = arith.constant 128 : i32
        %add3A_323 = arith.addi %add3A_154, %add3A_322 : i32
        %get3A_324 = arith.index_cast %add3A_323 : i32 to index
        %get3A_325 = tpu.vector_load %arg6[%get3A_324] {strides = array<i32>} : memref<39936xf32, #tpu.memory_space<vmem>>, vector<16xf32>,
        %get3A_326 = vector.shape_cast %get3A_325 : vector<16xf32> to vector<16xf32>
        %sub3A_327 = arith.subf %get3A_326, %get3A_321 : vector<16xf32>
        %mul3A_328 = arith.mulf %get3A_161, %sub3A_327 : vector<16xf32>
        %add3A_329 = arith.addf %get3A_321, %mul3A_328 : vector<16xf32>
        %add3A_330 = arith.constant 160 : i32
        %add3A_331 = arith.addi %mul3A_152, %add3A_330 : i32
        %get3A_332 = arith.index_cast %add3A_331 : i32 to index
        %get3A_333 = tpu.vector_load %arg6[%get3A_332] {strides = array<i32>} : memref<39936xf32, #tpu.memory_space<vmem>>, vector<16xf32>,
        %get3A_334 = vector.shape_cast %get3A_333 : vector<16xf32> to vector<16xf32>
        %add3A_335 = arith.constant 160 : i32
        %add3A_336 = arith.addi %add3A_154, %add3A_335 : i32
        %get3A_337 = arith.index_cast %add3A_336 : i32 to index
        %get3A_338 = tpu.vector_load %arg6[%get3A_337] {strides = array<i32>} : memref<39936xf32, #tpu.memory_space<vmem>>, vector<16xf32>,
        %get3A_339 = vector.shape_cast %get3A_338 : vector<16xf32> to vector<16xf32>
        %sub3A_340 = arith.subf %get3A_339, %get3A_334 : vector<16xf32>
        %mul3A_341 = arith.mulf %get3A_161, %sub3A_340 : vector<16xf32>
        %add3A_342 = arith.addf %get3A_334, %mul3A_341 : vector<16xf32>
        %sub3A_343 = arith.subf %add3A_342, %add3A_329 : vector<16xf32>
        %mul3A_344 = arith.constant 3.906250e-02 : f32
        %mul3A_345 = vector.broadcast %mul3A_344 : f32 to vector<16xf32>
        %mul3A_346 = arith.mulf %mul3A_345, %sub3A_343 : vector<16xf32>
        %add3A_347 = arith.addf %add3A_329, %mul3A_346 : vector<16xf32>
        %add3A_348 = arith.constant 128 : i32
        %add3A_349 = arith.addi %mul3A_163, %add3A_348 : i32
        %swap3A_350 = arith.index_cast %add3A_349 : i32 to index
        %swap3A_351 = tpu.vector_load %arg7[%swap3A_350] {strides = array<i32>} : memref<36864xf32, #tpu.memory_space<vmem>>, vector<16xf32>,
        %swap3A_352 = vector.shape_cast %swap3A_351 : vector<16xf32> to vector<16xf32>
        %swap3A_353 = vector.shape_cast %add3A_347 : vector<16xf32> to vector<16xf32>
        tpu.vector_store %arg7[%swap3A_350], %swap3A_353 {strides = array<i32>} : memref<36864xf32, #tpu.memory_space<vmem>>, vector<16xf32>,
        %add3A_354 = arith.constant 144 : i32
        %add3A_355 = arith.addi %mul3A_152, %add3A_354 : i32
        %get3A_356 = arith.index_cast %add3A_355 : i32 to index
        %get3A_357 = tpu.vector_load %arg6[%get3A_356] {strides = array<i32>} : memref<39936xf32, #tpu.memory_space<vmem>>, vector<16xf32>,
        %get3A_358 = vector.shape_cast %get3A_357 : vector<16xf32> to vector<16xf32>
        %add3A_359 = arith.constant 144 : i32
        %add3A_360 = arith.addi %add3A_154, %add3A_359 : i32
        %get3A_361 = arith.index_cast %add3A_360 : i32 to index
        %get3A_362 = tpu.vector_load %arg6[%get3A_361] {strides = array<i32>} : memref<39936xf32, #tpu.memory_space<vmem>>, vector<16xf32>,
        %get3A_363 = vector.shape_cast %get3A_362 : vector<16xf32> to vector<16xf32>
        %sub3A_364 = arith.subf %get3A_363, %get3A_358 : vector<16xf32>
        %mul3A_365 = arith.mulf %get3A_161, %sub3A_364 : vector<16xf32>
        %add3A_366 = arith.addf %get3A_358, %mul3A_365 : vector<16xf32>
        %add3A_367 = arith.constant 176 : i32
        %add3A_368 = arith.addi %mul3A_152, %add3A_367 : i32
        %get3A_369 = arith.index_cast %add3A_368 : i32 to index
        %get3A_370 = tpu.vector_load %arg6[%get3A_369] {strides = array<i32>} : memref<39936xf32, #tpu.memory_space<vmem>>, vector<16xf32>,
        %get3A_371 = vector.shape_cast %get3A_370 : vector<16xf32> to vector<16xf32>
        %add3A_372 = arith.constant 176 : i32
        %add3A_373 = arith.addi %add3A_154, %add3A_372 : i32
        %get3A_374 = arith.index_cast %add3A_373 : i32 to index
        %get3A_375 = tpu.vector_load %arg6[%get3A_374] {strides = array<i32>} : memref<39936xf32, #tpu.memory_space<vmem>>, vector<16xf32>,
        %get3A_376 = vector.shape_cast %get3A_375 : vector<16xf32> to vector<16xf32>
        %sub3A_377 = arith.subf %get3A_376, %get3A_371 : vector<16xf32>
        %mul3A_378 = arith.mulf %get3A_161, %sub3A_377 : vector<16xf32>
        %add3A_379 = arith.addf %get3A_371, %mul3A_378 : vector<16xf32>
        %sub3A_380 = arith.subf %add3A_379, %add3A_366 : vector<16xf32>
        %mul3A_381 = arith.constant 3.906250e-02 : f32
        %mul3A_382 = vector.broadcast %mul3A_381 : f32 to vector<16xf32>
        %mul3A_383 = arith.mulf %mul3A_382, %sub3A_380 : vector<16xf32>
        %add3A_384 = arith.addf %add3A_366, %mul3A_383 : vector<16xf32>
        %add3A_385 = arith.constant 144 : i32
        %add3A_386 = arith.addi %mul3A_163, %add3A_385 : i32
        %swap3A_387 = arith.index_cast %add3A_386 : i32 to index
        %swap3A_388 = tpu.vector_load %arg7[%swap3A_387] {strides = array<i32>} : memref<36864xf32, #tpu.memory_space<vmem>>, vector<16xf32>,
        %swap3A_389 = vector.shape_cast %swap3A_388 : vector<16xf32> to vector<16xf32>
        %swap3A_390 = vector.shape_cast %add3A_384 : vector<16xf32> to vector<16xf32>
        tpu.vector_store %arg7[%swap3A_387], %swap3A_390 {strides = array<i32>} : memref<36864xf32, #tpu.memory_space<vmem>>, vector<16xf32>,
        %add3A_391 = arith.constant 2848 : i32
        %add3A_392 = arith.addi %mul3A_152, %add3A_391 : i32
        %get3A_393 = arith.index_cast %add3A_392 : i32 to index
        %get3A_394 = tpu.vector_load %arg6[%get3A_393] {strides = array<i32>} : memref<39936xf32, #tpu.memory_space<vmem>>, vector<16xf32>,
        %get3A_395 = vector.shape_cast %get3A_394 : vector<16xf32> to vector<16xf32>
        %add3A_396 = arith.constant 2848 : i32
        %add3A_397 = arith.addi %add3A_154, %add3A_396 : i32
        %get3A_398 = arith.index_cast %add3A_397 : i32 to index
        %get3A_399 = tpu.vector_load %arg6[%get3A_398] {strides = array<i32>} : memref<39936xf32, #tpu.memory_space<vmem>>, vector<16xf32>,
        %get3A_400 = vector.shape_cast %get3A_399 : vector<16xf32> to vector<16xf32>
        %sub3A_401 = arith.subf %get3A_400, %get3A_395 : vector<16xf32>
        %mul3A_402 = arith.mulf %get3A_161, %sub3A_401 : vector<16xf32>
        %add3A_403 = arith.addf %get3A_395, %mul3A_402 : vector<16xf32>
        %add3A_404 = arith.constant 2880 : i32
        %add3A_405 = arith.addi %mul3A_152, %add3A_404 : i32
        %get3A_406 = arith.index_cast %add3A_405 : i32 to index
        %get3A_407 = tpu.vector_load %arg6[%get3A_406] {strides = array<i32>} : memref<39936xf32, #tpu.memory_space<vmem>>, vector<16xf32>,
        %get3A_408 = vector.shape_cast %get3A_407 : vector<16xf32> to vector<16xf32>
        %add3A_409 = arith.constant 2880 : i32
        %add3A_410 = arith.addi %add3A_154, %add3A_409 : i32
        %get3A_411 = arith.index_cast %add3A_410 : i32 to index
        %get3A_412 = tpu.vector_load %arg6[%get3A_411] {strides = array<i32>} : memref<39936xf32, #tpu.memory_space<vmem>>, vector<16xf32>,
        %get3A_413 = vector.shape_cast %get3A_412 : vector<16xf32> to vector<16xf32>
        %sub3A_414 = arith.subf %get3A_413, %get3A_408 : vector<16xf32>
        %mul3A_415 = arith.mulf %get3A_161, %sub3A_414 : vector<16xf32>
        %add3A_416 = arith.addf %get3A_408, %mul3A_415 : vector<16xf32>
        %sub3A_417 = arith.subf %add3A_416, %add3A_403 : vector<16xf32>
        %mul3A_418 = arith.constant 0.9609375 : f32
        %mul3A_419 = vector.broadcast %mul3A_418 : f32 to vector<16xf32>
        %mul3A_420 = arith.mulf %mul3A_419, %sub3A_417 : vector<16xf32>
        %add3A_421 = arith.addf %add3A_403, %mul3A_420 : vector<16xf32>
        %add3A_422 = arith.constant 2912 : i32
        %add3A_423 = arith.addi %mul3A_163, %add3A_422 : i32
        %swap3A_424 = arith.index_cast %add3A_423 : i32 to index
        %swap3A_425 = tpu.vector_load %arg7[%swap3A_424] {strides = array<i32>} : memref<36864xf32, #tpu.memory_space<vmem>>, vector<16xf32>,
        %swap3A_426 = vector.shape_cast %swap3A_425 : vector<16xf32> to vector<16xf32>
        %swap3A_427 = vector.shape_cast %add3A_421 : vector<16xf32> to vector<16xf32>
        tpu.vector_store %arg7[%swap3A_424], %swap3A_427 {strides = array<i32>} : memref<36864xf32, #tpu.memory_space<vmem>>, vector<16xf32>,
        %add3A_428 = arith.constant 2864 : i32
        %add3A_429 = arith.addi %mul3A_152, %add3A_428 : i32
        %get3A_430 = arith.index_cast %add3A_429 : i32 to index
        %get3A_431 = tpu.vector_load %arg6[%get3A_430] {strides = array<i32>} : memref<39936xf32, #tpu.memory_space<vmem>>, vector<16xf32>,
        %get3A_432 = vector.shape_cast %get3A_431 : vector<16xf32> to vector<16xf32>
        %add3A_433 = arith.constant 2864 : i32
        %add3A_434 = arith.addi %add3A_154, %add3A_433 : i32
        %get3A_435 = arith.index_cast %add3A_434 : i32 to index
        %get3A_436 = tpu.vector_load %arg6[%get3A_435] {strides = array<i32>} : memref<39936xf32, #tpu.memory_space<vmem>>, vector<16xf32>,
        %get3A_437 = vector.shape_cast %get3A_436 : vector<16xf32> to vector<16xf32>
        %sub3A_438 = arith.subf %get3A_437, %get3A_432 : vector<16xf32>
        %mul3A_439 = arith.mulf %get3A_161, %sub3A_438 : vector<16xf32>
        %add3A_440 = arith.addf %get3A_432, %mul3A_439 : vector<16xf32>
        %add3A_441 = arith.constant 2896 : i32
        %add3A_442 = arith.addi %mul3A_152, %add3A_441 : i32
        %get3A_443 = arith.index_cast %add3A_442 : i32 to index
        %get3A_444 = tpu.vector_load %arg6[%get3A_443] {strides = array<i32>} : memref<39936xf32, #tpu.memory_space<vmem>>, vector<16xf32>,
        %get3A_445 = vector.shape_cast %get3A_444 : vector<16xf32> to vector<16xf32>
        %add3A_446 = arith.constant 2896 : i32
        %add3A_447 = arith.addi %add3A_154, %add3A_446 : i32
        %get3A_448 = arith.index_cast %add3A_447 : i32 to index
        %get3A_449 = tpu.vector_load %arg6[%get3A_448] {strides = array<i32>} : memref<39936xf32, #tpu.memory_space<vmem>>, vector<16xf32>,
        %get3A_450 = vector.shape_cast %get3A_449 : vector<16xf32> to vector<16xf32>
        %sub3A_451 = arith.subf %get3A_450, %get3A_445 : vector<16xf32>
        %mul3A_452 = arith.mulf %get3A_161, %sub3A_451 : vector<16xf32>
        %add3A_453 = arith.addf %get3A_445, %mul3A_452 : vector<16xf32>
        %sub3A_454 = arith.subf %add3A_453, %add3A_440 : vector<16xf32>
        %mul3A_455 = arith.constant 0.9609375 : f32
        %mul3A_456 = vector.broadcast %mul3A_455 : f32 to vector<16xf32>
        %mul3A_457 = arith.mulf %mul3A_456, %sub3A_454 : vector<16xf32>
        %add3A_458 = arith.addf %add3A_440, %mul3A_457 : vector<16xf32>
        %add3A_459 = arith.constant 2928 : i32
        %add3A_460 = arith.addi %mul3A_163, %add3A_459 : i32
        %swap3A_461 = arith.index_cast %add3A_460 : i32 to index
        %swap3A_462 = tpu.vector_load %arg7[%swap3A_461] {strides = array<i32>} : memref<36864xf32, #tpu.memory_space<vmem>>, vector<16xf32>,
        %swap3A_463 = vector.shape_cast %swap3A_462 : vector<16xf32> to vector<16xf32>
        %swap3A_464 = vector.shape_cast %add3A_458 : vector<16xf32> to vector<16xf32>
        tpu.vector_store %arg7[%swap3A_461], %swap3A_464 {strides = array<i32>} : memref<36864xf32, #tpu.memory_space<vmem>>, vector<16xf32>,
        %add3A_465 = arith.constant 2912 : i32
        %add3A_466 = arith.addi %mul3A_152, %add3A_465 : i32
        %get3A_467 = arith.index_cast %add3A_466 : i32 to index
        %get3A_468 = tpu.vector_load %arg6[%get3A_467] {strides = array<i32>} : memref<39936xf32, #tpu.memory_space<vmem>>, vector<16xf32>,
        %get3A_469 = vector.shape_cast %get3A_468 : vector<16xf32> to vector<16xf32>
        %add3A_470 = arith.constant 2912 : i32
        %add3A_471 = arith.addi %add3A_154, %add3A_470 : i32
        %get3A_472 = arith.index_cast %add3A_471 : i32 to index
        %get3A_473 = tpu.vector_load %arg6[%get3A_472] {strides = array<i32>} : memref<39936xf32, #tpu.memory_space<vmem>>, vector<16xf32>,
        %get3A_474 = vector.shape_cast %get3A_473 : vector<16xf32> to vector<16xf32>
        %sub3A_475 = arith.subf %get3A_474, %get3A_469 : vector<16xf32>
        %mul3A_476 = arith.mulf %get3A_161, %sub3A_475 : vector<16xf32>
        %add3A_477 = arith.addf %get3A_469, %mul3A_476 : vector<16xf32>
        %add3A_478 = arith.constant 2944 : i32
        %add3A_479 = arith.addi %mul3A_152, %add3A_478 : i32
        %get3A_480 = arith.index_cast %add3A_479 : i32 to index
        %get3A_481 = tpu.vector_load %arg6[%get3A_480] {strides = array<i32>} : memref<39936xf32, #tpu.memory_space<vmem>>, vector<16xf32>,
        %get3A_482 = vector.shape_cast %get3A_481 : vector<16xf32> to vector<16xf32>
        %add3A_483 = arith.constant 2944 : i32
        %add3A_484 = arith.addi %add3A_154, %add3A_483 : i32
        %get3A_485 = arith.index_cast %add3A_484 : i32 to index
        %get3A_486 = tpu.vector_load %arg6[%get3A_485] {strides = array<i32>} : memref<39936xf32, #tpu.memory_space<vmem>>, vector<16xf32>,
        %get3A_487 = vector.shape_cast %get3A_486 : vector<16xf32> to vector<16xf32>
        %sub3A_488 = arith.subf %get3A_487, %get3A_482 : vector<16xf32>
        %mul3A_489 = arith.mulf %get3A_161, %sub3A_488 : vector<16xf32>
        %add3A_490 = arith.addf %get3A_482, %mul3A_489 : vector<16xf32>
        %sub3A_491 = arith.subf %add3A_490, %add3A_477 : vector<16xf32>
        %mul3A_492 = arith.constant 0.98046875 : f32
        %mul3A_493 = vector.broadcast %mul3A_492 : f32 to vector<16xf32>
        %mul3A_494 = arith.mulf %mul3A_493, %sub3A_491 : vector<16xf32>
        %add3A_495 = arith.addf %add3A_477, %mul3A_494 : vector<16xf32>
        %add3A_496 = arith.constant 2976 : i32
        %add3A_497 = arith.addi %mul3A_163, %add3A_496 : i32
        %swap3A_498 = arith.index_cast %add3A_497 : i32 to index
        %swap3A_499 = tpu.vector_load %arg7[%swap3A_498] {strides = array<i32>} : memref<36864xf32, #tpu.memory_space<vmem>>, vector<16xf32>,
        %swap3A_500 = vector.shape_cast %swap3A_499 : vector<16xf32> to vector<16xf32>
        %swap3A_501 = vector.shape_cast %add3A_495 : vector<16xf32> to vector<16xf32>
        tpu.vector_store %arg7[%swap3A_498], %swap3A_501 {strides = array<i32>} : memref<36864xf32, #tpu.memory_space<vmem>>, vector<16xf32>,
        %add3A_502 = arith.constant 2928 : i32
        %add3A_503 = arith.addi %mul3A_152, %add3A_502 : i32
        %get3A_504 = arith.index_cast %add3A_503 : i32 to index
        %get3A_505 = tpu.vector_load %arg6[%get3A_504] {strides = array<i32>} : memref<39936xf32, #tpu.memory_space<vmem>>, vector<16xf32>,
        %get3A_506 = vector.shape_cast %get3A_505 : vector<16xf32> to vector<16xf32>
        %add3A_507 = arith.constant 2928 : i32
        %add3A_508 = arith.addi %add3A_154, %add3A_507 : i32
        %get3A_509 = arith.index_cast %add3A_508 : i32 to index
        %get3A_510 = tpu.vector_load %arg6[%get3A_509] {strides = array<i32>} : memref<39936xf32, #tpu.memory_space<vmem>>, vector<16xf32>,
        %get3A_511 = vector.shape_cast %get3A_510 : vector<16xf32> to vector<16xf32>
        %sub3A_512 = arith.subf %get3A_511, %get3A_506 : vector<16xf32>
        %mul3A_513 = arith.mulf %get3A_161, %sub3A_512 : vector<16xf32>
        %add3A_514 = arith.addf %get3A_506, %mul3A_513 : vector<16xf32>
        %add3A_515 = arith.constant 2960 : i32
        %add3A_516 = arith.addi %mul3A_152, %add3A_515 : i32
        %get3A_517 = arith.index_cast %add3A_516 : i32 to index
        %get3A_518 = tpu.vector_load %arg6[%get3A_517] {strides = array<i32>} : memref<39936xf32, #tpu.memory_space<vmem>>, vector<16xf32>,
        %get3A_519 = vector.shape_cast %get3A_518 : vector<16xf32> to vector<16xf32>
        %add3A_520 = arith.constant 2960 : i32
        %add3A_521 = arith.addi %add3A_154, %add3A_520 : i32
        %get3A_522 = arith.index_cast %add3A_521 : i32 to index
        %get3A_523 = tpu.vector_load %arg6[%get3A_522] {strides = array<i32>} : memref<39936xf32, #tpu.memory_space<vmem>>, vector<16xf32>,
        %get3A_524 = vector.shape_cast %get3A_523 : vector<16xf32> to vector<16xf32>
        %sub3A_525 = arith.subf %get3A_524, %get3A_519 : vector<16xf32>
        %mul3A_526 = arith.mulf %get3A_161, %sub3A_525 : vector<16xf32>
        %add3A_527 = arith.addf %get3A_519, %mul3A_526 : vector<16xf32>
        %sub3A_528 = arith.subf %add3A_527, %add3A_514 : vector<16xf32>
        %mul3A_529 = arith.constant 0.98046875 : f32
        %mul3A_530 = vector.broadcast %mul3A_529 : f32 to vector<16xf32>
        %mul3A_531 = arith.mulf %mul3A_530, %sub3A_528 : vector<16xf32>
        %add3A_532 = arith.addf %add3A_514, %mul3A_531 : vector<16xf32>
        %add3A_533 = arith.constant 2992 : i32
        %add3A_534 = arith.addi %mul3A_163, %add3A_533 : i32
        %swap3A_535 = arith.index_cast %add3A_534 : i32 to index
        %swap3A_536 = tpu.vector_load %arg7[%swap3A_535] {strides = array<i32>} : memref<36864xf32, #tpu.memory_space<vmem>>, vector<16xf32>,
        %swap3A_537 = vector.shape_cast %swap3A_536 : vector<16xf32> to vector<16xf32>
        %swap3A_538 = vector.shape_cast %add3A_532 : vector<16xf32> to vector<16xf32>
        tpu.vector_store %arg7[%swap3A_535], %swap3A_538 {strides = array<i32>} : memref<36864xf32, #tpu.memory_space<vmem>>, vector<16xf32>,
        %scan3A_539 = arith.constant 0 : i32
        scf.yield %scan3A_539 : i32
      }
      %scan3A_78 = arith.constant 12 : i32
      %mul3A_79 = arith.constant 32 : i32
      %mul3A_80 = arith.muli %select_n3A, %mul3A_79 : i32
      %add3A_81 = arith.addi %mul3A_80, %add3A_56 : i32
      %mul3A_82 = arith.constant 96 : i32
      %mul3A_83 = arith.muli %add3A_81, %mul3A_82 : i32
      %add3A_84 = arith.addi %mul3A_83, %mul3A_32 : i32
      %mul3A_85 = arith.constant 3072 : i32
      %mul3A_86 = arith.muli %add3A_84, %mul3A_85 : i32
      %multiple_of3A_87 = tpu.assume_multiple %mul3A_86, 3072 : i32
      "tpu.region"() ({
        %run_scoped3A = tpu.sem_alloc : memref<!tpu.dma_semaphore, #tpu.memory_space<semaphore_mem>>
        %dma_start3A = tpu.memref_slice %arg4[%multiple_of3A_87] : memref<37748736xf32, #tpu.memory_space<hbm>> -> memref<36864xf32, #tpu.memory_space<hbm>>
        %dma_start3A_126 = tpu.memref_slice %arg4[%multiple_of3A_87] : memref<37748736xf32, #tpu.memory_space<hbm>> -> memref<36864xf32, #tpu.memory_space<hbm>>
        tpu.enqueue_dma source(%arg7 : memref<36864xf32, #tpu.memory_space<vmem>>) target(%dma_start3A_126 : memref<36864xf32, #tpu.memory_space<hbm>>) target_semaphore(%run_scoped3A : memref<!tpu.dma_semaphore, #tpu.memory_space<semaphore_mem>>)
        %dma_wait3A = tpu.memref_slice %arg4[%multiple_of3A_87] : memref<37748736xf32, #tpu.memory_space<hbm>> -> memref<36864xf32, #tpu.memory_space<hbm>>
        %dma_wait3A_127 = tpu.memref_slice %arg4[%multiple_of3A_87] : memref<37748736xf32, #tpu.memory_space<hbm>> -> memref<36864xf32, #tpu.memory_space<hbm>>
        tpu.wait_dma2 semaphore(%run_scoped3A : memref<!tpu.dma_semaphore, #tpu.memory_space<semaphore_mem>>) src(%arg7 : memref<36864xf32, #tpu.memory_space<vmem>>) dst(%dma_wait3A_127 : memref<36864xf32, #tpu.memory_space<hbm>>)
        tpu.yield
      }) : () -> ()
      %mul3A_88 = arith.constant 2 : i32
      %mul3A_89 = arith.muli %scan3A_51, %mul3A_88 : i32
      %add3A_90 = arith.constant 1 : i32
      %add3A_91 = arith.addi %mul3A_89, %add3A_90 : i32
      %mul3A_92 = arith.constant 32 : i32
      %mul3A_93 = arith.muli %select_n3A, %mul3A_92 : i32
      %add3A_94 = arith.addi %mul3A_93, %add3A_91 : i32
      %mul3A_95 = arith.constant 96 : i32
      %mul3A_96 = arith.muli %add3A_94, %mul3A_95 : i32
      %add3A_97 = arith.addi %mul3A_96, %sub3A_34 : i32
      %mul3A_98 = arith.constant 3072 : i32
      %mul3A_99 = arith.muli %add3A_97, %mul3A_98 : i32
      %multiple_of3A_100 = tpu.assume_multiple %mul3A_99, 3072 : i32
      "tpu.region"() ({
        %run_scoped3A = tpu.sem_alloc : memref<!tpu.dma_semaphore, #tpu.memory_space<semaphore_mem>>
        %dma_start3A = tpu.memref_slice %arg2[%multiple_of3A_100] : memref<37748736xf32, #tpu.memory_space<hbm>> -> memref<39936xf32, #tpu.memory_space<hbm>>
        %dma_start3A_126 = tpu.memref_slice %arg2[%multiple_of3A_100] : memref<37748736xf32, #tpu.memory_space<hbm>> -> memref<39936xf32, #tpu.memory_space<hbm>>
        tpu.enqueue_dma source(%dma_start3A_126 : memref<39936xf32, #tpu.memory_space<hbm>>) target(%arg6 : memref<39936xf32, #tpu.memory_space<vmem>>) target_semaphore(%run_scoped3A : memref<!tpu.dma_semaphore, #tpu.memory_space<semaphore_mem>>)
        %dma_wait3A = tpu.memref_slice %arg2[%multiple_of3A_100] : memref<37748736xf32, #tpu.memory_space<hbm>> -> memref<39936xf32, #tpu.memory_space<hbm>>
        %dma_wait3A_127 = tpu.memref_slice %arg2[%multiple_of3A_100] : memref<37748736xf32, #tpu.memory_space<hbm>> -> memref<39936xf32, #tpu.memory_space<hbm>>
        tpu.wait_dma2 semaphore(%run_scoped3A : memref<!tpu.dma_semaphore, #tpu.memory_space<semaphore_mem>>) src(%dma_wait3A_127 : memref<39936xf32, #tpu.memory_space<hbm>>) dst(%arg6 : memref<39936xf32, #tpu.memory_space<vmem>>)
        tpu.yield
      }) : () -> ()
      %mul3A_101 = arith.constant 16 : i32
      %mul3A_102 = arith.muli %add3A_91, %mul3A_101 : i32
      %get3A_103 = arith.index_cast %mul3A_102 : i32 to index
      %get3A_104 = tpu.vector_load %arg8[%get3A_103] {strides = array<i32>} : memref<5120xf32, #tpu.memory_space<vmem>>, vector<16xf32>,
      %get3A_105 = vector.shape_cast %get3A_104 : vector<16xf32> to vector<16xf32>
      %parallel_loop3A_106 = arith.constant 0 : i32
      %parallel_loop3A_107 = arith.constant 2496 : i32
      %parallel_loop3A_108 = arith.constant 1 : i32
      scf.for %parallel_loop3A_126 = %parallel_loop3A_106 to %parallel_loop3A_107 step %parallel_loop3A_108  : i32 {
        %parallel_loop3A_127 = arith.constant 16 : i32
        %parallel_loop3A_128 = arith.muli %parallel_loop3A_126, %parallel_loop3A_127 : i32
        %parallel_loop3A_129 = arith.index_cast %parallel_loop3A_128 : i32 to index
        %parallel_loop3A_130 = tpu.vector_load %arg6[%parallel_loop3A_129] {strides = array<i32>} : memref<39936xf32, #tpu.memory_space<vmem>>, vector<16xf32>,
        %parallel_loop3A_131 = vector.shape_cast %parallel_loop3A_130 : vector<16xf32> to vector<16xf32>
        %parallel_loop3A_132 = arith.index_cast %parallel_loop3A_128 : i32 to index
        %parallel_loop3A_133 = tpu.vector_load %arg5[%parallel_loop3A_132] {strides = array<i32>} : memref<39936xf32, #tpu.memory_space<vmem>>, vector<16xf32>,
        %parallel_loop3A_134 = vector.shape_cast %parallel_loop3A_133 : vector<16xf32> to vector<16xf32>
        %parallel_loop3A_135 = arith.subf %parallel_loop3A_134, %parallel_loop3A_131 : vector<16xf32>
        %parallel_loop3A_136 = arith.mulf %get3A_105, %parallel_loop3A_135 : vector<16xf32>
        %parallel_loop3A_137 = arith.addf %parallel_loop3A_131, %parallel_loop3A_136 : vector<16xf32>
        %parallel_loop3A_138 = arith.index_cast %parallel_loop3A_128 : i32 to index
        %parallel_loop3A_139 = tpu.vector_load %arg5[%parallel_loop3A_138] {strides = array<i32>} : memref<39936xf32, #tpu.memory_space<vmem>>, vector<16xf32>,
        %parallel_loop3A_140 = vector.shape_cast %parallel_loop3A_139 : vector<16xf32> to vector<16xf32>
        %parallel_loop3A_141 = vector.shape_cast %parallel_loop3A_137 : vector<16xf32> to vector<16xf32>
        tpu.vector_store %arg5[%parallel_loop3A_138], %parallel_loop3A_141 {strides = array<i32>} : memref<39936xf32, #tpu.memory_space<vmem>>, vector<16xf32>,
      } {sc.loop_unroll_factor = 8 : i64, sc.parallel_access}
      %scan3A_109 = arith.constant 0 : i32
      %scan3A_110 = arith.constant 0 : i32
      %scan3A_111 = arith.constant 12 : i32
      %scan3A_112 = arith.addi %scan3A_110, %scan3A_111 : i32
      %scan3A_113 = arith.constant 1 : i32
      %scan3A_114 = scf.for %scan3A_126 = %scan3A_110 to %scan3A_112 step %scan3A_113 iter_args(%scan3A_127 = %scan3A_109) -> (i32)  : i32 {
        %add3A_128 = arith.addi %mul3A_32, %scan3A_126 : i32
        %sub3A_129 = arith.constant 1 : i32
        %sub3A_130 = arith.subi %add3A_128, %sub3A_129 : i32
        %eq3A_131 = arith.constant 0 : i32
        %eq3A_132 = arith.cmpi eq, %add3A_128, %eq3A_131 : i32
        %convert_element_type3A = arith.extui %eq3A_132 : i1 to i32
        %add3A_133 = arith.addi %sub3A_130, %convert_element_type3A : i32
        %eq3A_134 = arith.constant 2 : i32
        %eq3A_135 = arith.cmpi eq, %add3A_128, %eq3A_134 : i32
        %convert_element_type3A_136 = arith.extui %eq3A_135 : i1 to i32
        %add3A_137 = arith.addi %add3A_133, %convert_element_type3A_136 : i32
        %eq3A_138 = arith.constant 4 : i32
        %eq3A_139 = arith.cmpi eq, %add3A_128, %eq3A_138 : i32
        %convert_element_type3A_140 = arith.extui %eq3A_139 : i1 to i32
        %add3A_141 = arith.addi %add3A_137, %convert_element_type3A_140 : i32
        %eq3A_142 = arith.constant 91 : i32
        %eq3A_143 = arith.cmpi eq, %add3A_128, %eq3A_142 : i32
        %convert_element_type3A_144 = arith.extui %eq3A_143 : i1 to i32
        %sub3A_145 = arith.subi %add3A_141, %convert_element_type3A_144 : i32
        %eq3A_146 = arith.constant 93 : i32
        %eq3A_147 = arith.cmpi eq, %add3A_128, %eq3A_146 : i32
        %convert_element_type3A_148 = arith.extui %eq3A_147 : i1 to i32
        %sub3A_149 = arith.subi %sub3A_145, %convert_element_type3A_148 : i32
        %sub3A_150 = arith.subi %sub3A_149, %sub3A_34 : i32
        %mul3A_151 = arith.constant 3072 : i32
        %mul3A_152 = arith.muli %sub3A_150, %mul3A_151 : i32
        %add3A_153 = arith.constant 3072 : i32
        %add3A_154 = arith.addi %mul3A_152, %add3A_153 : i32
        %mul3A_155 = arith.constant 16 : i32
        %mul3A_156 = arith.muli %add3A_128, %mul3A_155 : i32
        %add3A_157 = arith.constant 512 : i32
        %add3A_158 = arith.addi %add3A_157, %mul3A_156 : i32
        %get3A_159 = arith.index_cast %add3A_158 : i32 to index
        %get3A_160 = tpu.vector_load %arg8[%get3A_159] {strides = array<i32>} : memref<5120xf32, #tpu.memory_space<vmem>>, vector<16xf32>,
        %get3A_161 = vector.shape_cast %get3A_160 : vector<16xf32> to vector<16xf32>
        %mul3A_162 = arith.constant 3072 : i32
        %mul3A_163 = arith.muli %scan3A_126, %mul3A_162 : i32
        %scan3A_164 = arith.constant 0 : i32
        %scan3A_165 = arith.constant 192 : i32
        %scan3A_166 = arith.addi %scan3A_164, %scan3A_165 : i32
        %scan3A_167 = arith.constant 4 : i32
        %scan3A_168:2 = scf.for %scan3A_540 = %scan3A_164 to %scan3A_166 step %scan3A_167 iter_args(%scan3A_541 = %broadcast_in_dim3A_35, %scan3A_542 = %broadcast_in_dim3A_35) -> (vector<16xf32>, vector<16xf32>)  : i32 {
          %mul3A_543 = arith.constant 16 : i32
          %mul3A_544 = arith.muli %scan3A_540, %mul3A_543 : i32
          %add3A_545 = arith.addi %mul3A_152, %mul3A_544 : i32
          %get3A_546 = arith.index_cast %add3A_545 : i32 to index
          %get3A_547 = tpu.vector_load %arg5[%get3A_546] {strides = array<i32>} : memref<39936xf32, #tpu.memory_space<vmem>>, vector<16xf32>,
          %get3A_548 = vector.shape_cast %get3A_547 : vector<16xf32> to vector<16xf32>
          %mul3A_549 = arith.constant 16 : i32
          %mul3A_550 = arith.muli %scan3A_540, %mul3A_549 : i32
          %add3A_551 = arith.addi %add3A_154, %mul3A_550 : i32
          %get3A_552 = arith.index_cast %add3A_551 : i32 to index
          %get3A_553 = tpu.vector_load %arg5[%get3A_552] {strides = array<i32>} : memref<39936xf32, #tpu.memory_space<vmem>>, vector<16xf32>,
          %get3A_554 = vector.shape_cast %get3A_553 : vector<16xf32> to vector<16xf32>
          %sub3A_555 = arith.subf %get3A_554, %get3A_548 : vector<16xf32>
          %mul3A_556 = arith.mulf %get3A_161, %sub3A_555 : vector<16xf32>
          %add3A_557 = arith.addf %get3A_548, %mul3A_556 : vector<16xf32>
          %mul3A_558 = arith.constant 16 : i32
          %mul3A_559 = arith.muli %scan3A_540, %mul3A_558 : i32
          %add3A_560 = arith.constant 2048 : i32
          %add3A_561 = arith.addi %add3A_560, %mul3A_559 : i32
          %get3A_562 = arith.index_cast %add3A_561 : i32 to index
          %get3A_563 = tpu.vector_load %arg8[%get3A_562] {strides = array<i32>} : memref<5120xf32, #tpu.memory_space<vmem>>, vector<16xf32>,
          %get3A_564 = vector.shape_cast %get3A_563 : vector<16xf32> to vector<16xf32>
          %sub3A_565 = arith.subf %add3A_557, %scan3A_542 : vector<16xf32>
          %mul3A_566 = arith.mulf %get3A_564, %sub3A_565 : vector<16xf32>
          %add3A_567 = arith.addf %scan3A_542, %mul3A_566 : vector<16xf32>
          %mul3A_568 = arith.constant 16 : i32
          %mul3A_569 = arith.muli %scan3A_540, %mul3A_568 : i32
          %add3A_570 = arith.addi %mul3A_163, %mul3A_569 : i32
          %swap3A_571 = arith.index_cast %add3A_570 : i32 to index
          %swap3A_572 = tpu.vector_load %arg7[%swap3A_571] {strides = array<i32>} : memref<36864xf32, #tpu.memory_space<vmem>>, vector<16xf32>,
          %swap3A_573 = vector.shape_cast %swap3A_572 : vector<16xf32> to vector<16xf32>
          %swap3A_574 = vector.shape_cast %add3A_567 : vector<16xf32> to vector<16xf32>
          tpu.vector_store %arg7[%swap3A_571], %swap3A_574 {strides = array<i32>} : memref<36864xf32, #tpu.memory_space<vmem>>, vector<16xf32>,
          %scan3A_575 = arith.constant 1 : i32
          %scan3A_576 = arith.addi %scan3A_540, %scan3A_575 : i32
          %mul3A_577 = arith.constant 16 : i32
          %mul3A_578 = arith.muli %scan3A_576, %mul3A_577 : i32
          %add3A_579 = arith.addi %mul3A_152, %mul3A_578 : i32
          %get3A_580 = arith.index_cast %add3A_579 : i32 to index
          %get3A_581 = tpu.vector_load %arg5[%get3A_580] {strides = array<i32>} : memref<39936xf32, #tpu.memory_space<vmem>>, vector<16xf32>,
          %get3A_582 = vector.shape_cast %get3A_581 : vector<16xf32> to vector<16xf32>
          %mul3A_583 = arith.constant 16 : i32
          %mul3A_584 = arith.muli %scan3A_576, %mul3A_583 : i32
          %add3A_585 = arith.addi %add3A_154, %mul3A_584 : i32
          %get3A_586 = arith.index_cast %add3A_585 : i32 to index
          %get3A_587 = tpu.vector_load %arg5[%get3A_586] {strides = array<i32>} : memref<39936xf32, #tpu.memory_space<vmem>>, vector<16xf32>,
          %get3A_588 = vector.shape_cast %get3A_587 : vector<16xf32> to vector<16xf32>
          %sub3A_589 = arith.subf %get3A_588, %get3A_582 : vector<16xf32>
          %mul3A_590 = arith.mulf %get3A_161, %sub3A_589 : vector<16xf32>
          %add3A_591 = arith.addf %get3A_582, %mul3A_590 : vector<16xf32>
          %mul3A_592 = arith.constant 16 : i32
          %mul3A_593 = arith.muli %scan3A_576, %mul3A_592 : i32
          %add3A_594 = arith.constant 2048 : i32
          %add3A_595 = arith.addi %add3A_594, %mul3A_593 : i32
          %get3A_596 = arith.index_cast %add3A_595 : i32 to index
          %get3A_597 = tpu.vector_load %arg8[%get3A_596] {strides = array<i32>} : memref<5120xf32, #tpu.memory_space<vmem>>, vector<16xf32>,
          %get3A_598 = vector.shape_cast %get3A_597 : vector<16xf32> to vector<16xf32>
          %sub3A_599 = arith.subf %add3A_591, %scan3A_541 : vector<16xf32>
          %mul3A_600 = arith.mulf %get3A_598, %sub3A_599 : vector<16xf32>
          %add3A_601 = arith.addf %scan3A_541, %mul3A_600 : vector<16xf32>
          %mul3A_602 = arith.constant 16 : i32
          %mul3A_603 = arith.muli %scan3A_576, %mul3A_602 : i32
          %add3A_604 = arith.addi %mul3A_163, %mul3A_603 : i32
          %swap3A_605 = arith.index_cast %add3A_604 : i32 to index
          %swap3A_606 = tpu.vector_load %arg7[%swap3A_605] {strides = array<i32>} : memref<36864xf32, #tpu.memory_space<vmem>>, vector<16xf32>,
          %swap3A_607 = vector.shape_cast %swap3A_606 : vector<16xf32> to vector<16xf32>
          %swap3A_608 = vector.shape_cast %add3A_601 : vector<16xf32> to vector<16xf32>
          tpu.vector_store %arg7[%swap3A_605], %swap3A_608 {strides = array<i32>} : memref<36864xf32, #tpu.memory_space<vmem>>, vector<16xf32>,
          %scan3A_609 = arith.constant 2 : i32
          %scan3A_610 = arith.addi %scan3A_540, %scan3A_609 : i32
          %mul3A_611 = arith.constant 16 : i32
          %mul3A_612 = arith.muli %scan3A_610, %mul3A_611 : i32
          %add3A_613 = arith.addi %mul3A_152, %mul3A_612 : i32
          %get3A_614 = arith.index_cast %add3A_613 : i32 to index
          %get3A_615 = tpu.vector_load %arg5[%get3A_614] {strides = array<i32>} : memref<39936xf32, #tpu.memory_space<vmem>>, vector<16xf32>,
          %get3A_616 = vector.shape_cast %get3A_615 : vector<16xf32> to vector<16xf32>
          %mul3A_617 = arith.constant 16 : i32
          %mul3A_618 = arith.muli %scan3A_610, %mul3A_617 : i32
          %add3A_619 = arith.addi %add3A_154, %mul3A_618 : i32
          %get3A_620 = arith.index_cast %add3A_619 : i32 to index
          %get3A_621 = tpu.vector_load %arg5[%get3A_620] {strides = array<i32>} : memref<39936xf32, #tpu.memory_space<vmem>>, vector<16xf32>,
          %get3A_622 = vector.shape_cast %get3A_621 : vector<16xf32> to vector<16xf32>
          %sub3A_623 = arith.subf %get3A_622, %get3A_616 : vector<16xf32>
          %mul3A_624 = arith.mulf %get3A_161, %sub3A_623 : vector<16xf32>
          %add3A_625 = arith.addf %get3A_616, %mul3A_624 : vector<16xf32>
          %mul3A_626 = arith.constant 16 : i32
          %mul3A_627 = arith.muli %scan3A_610, %mul3A_626 : i32
          %add3A_628 = arith.constant 2048 : i32
          %add3A_629 = arith.addi %add3A_628, %mul3A_627 : i32
          %get3A_630 = arith.index_cast %add3A_629 : i32 to index
          %get3A_631 = tpu.vector_load %arg8[%get3A_630] {strides = array<i32>} : memref<5120xf32, #tpu.memory_space<vmem>>, vector<16xf32>,
          %get3A_632 = vector.shape_cast %get3A_631 : vector<16xf32> to vector<16xf32>
          %sub3A_633 = arith.subf %add3A_625, %add3A_557 : vector<16xf32>
          %mul3A_634 = arith.mulf %get3A_632, %sub3A_633 : vector<16xf32>
          %add3A_635 = arith.addf %add3A_557, %mul3A_634 : vector<16xf32>
          %mul3A_636 = arith.constant 16 : i32
          %mul3A_637 = arith.muli %scan3A_610, %mul3A_636 : i32
          %add3A_638 = arith.addi %mul3A_163, %mul3A_637 : i32
          %swap3A_639 = arith.index_cast %add3A_638 : i32 to index
          %swap3A_640 = tpu.vector_load %arg7[%swap3A_639] {strides = array<i32>} : memref<36864xf32, #tpu.memory_space<vmem>>, vector<16xf32>,
          %swap3A_641 = vector.shape_cast %swap3A_640 : vector<16xf32> to vector<16xf32>
          %swap3A_642 = vector.shape_cast %add3A_635 : vector<16xf32> to vector<16xf32>
          tpu.vector_store %arg7[%swap3A_639], %swap3A_642 {strides = array<i32>} : memref<36864xf32, #tpu.memory_space<vmem>>, vector<16xf32>,
          %scan3A_643 = arith.constant 3 : i32
          %scan3A_644 = arith.addi %scan3A_540, %scan3A_643 : i32
          %mul3A_645 = arith.constant 16 : i32
          %mul3A_646 = arith.muli %scan3A_644, %mul3A_645 : i32
          %add3A_647 = arith.addi %mul3A_152, %mul3A_646 : i32
          %get3A_648 = arith.index_cast %add3A_647 : i32 to index
          %get3A_649 = tpu.vector_load %arg5[%get3A_648] {strides = array<i32>} : memref<39936xf32, #tpu.memory_space<vmem>>, vector<16xf32>,
          %get3A_650 = vector.shape_cast %get3A_649 : vector<16xf32> to vector<16xf32>
          %mul3A_651 = arith.constant 16 : i32
          %mul3A_652 = arith.muli %scan3A_644, %mul3A_651 : i32
          %add3A_653 = arith.addi %add3A_154, %mul3A_652 : i32
          %get3A_654 = arith.index_cast %add3A_653 : i32 to index
          %get3A_655 = tpu.vector_load %arg5[%get3A_654] {strides = array<i32>} : memref<39936xf32, #tpu.memory_space<vmem>>, vector<16xf32>,
          %get3A_656 = vector.shape_cast %get3A_655 : vector<16xf32> to vector<16xf32>
          %sub3A_657 = arith.subf %get3A_656, %get3A_650 : vector<16xf32>
          %mul3A_658 = arith.mulf %get3A_161, %sub3A_657 : vector<16xf32>
          %add3A_659 = arith.addf %get3A_650, %mul3A_658 : vector<16xf32>
          %mul3A_660 = arith.constant 16 : i32
          %mul3A_661 = arith.muli %scan3A_644, %mul3A_660 : i32
          %add3A_662 = arith.constant 2048 : i32
          %add3A_663 = arith.addi %add3A_662, %mul3A_661 : i32
          %get3A_664 = arith.index_cast %add3A_663 : i32 to index
          %get3A_665 = tpu.vector_load %arg8[%get3A_664] {strides = array<i32>} : memref<5120xf32, #tpu.memory_space<vmem>>, vector<16xf32>,
          %get3A_666 = vector.shape_cast %get3A_665 : vector<16xf32> to vector<16xf32>
          %sub3A_667 = arith.subf %add3A_659, %add3A_591 : vector<16xf32>
          %mul3A_668 = arith.mulf %get3A_666, %sub3A_667 : vector<16xf32>
          %add3A_669 = arith.addf %add3A_591, %mul3A_668 : vector<16xf32>
          %mul3A_670 = arith.constant 16 : i32
          %mul3A_671 = arith.muli %scan3A_644, %mul3A_670 : i32
          %add3A_672 = arith.addi %mul3A_163, %mul3A_671 : i32
          %swap3A_673 = arith.index_cast %add3A_672 : i32 to index
          %swap3A_674 = tpu.vector_load %arg7[%swap3A_673] {strides = array<i32>} : memref<36864xf32, #tpu.memory_space<vmem>>, vector<16xf32>,
          %swap3A_675 = vector.shape_cast %swap3A_674 : vector<16xf32> to vector<16xf32>
          %swap3A_676 = vector.shape_cast %add3A_669 : vector<16xf32> to vector<16xf32>
          tpu.vector_store %arg7[%swap3A_673], %swap3A_676 {strides = array<i32>} : memref<36864xf32, #tpu.memory_space<vmem>>, vector<16xf32>,
          scf.yield %add3A_659, %add3A_625 : vector<16xf32>, vector<16xf32>
        }
        %scan3A_169 = arith.constant 192 : i32
        %add3A_170 = arith.constant 0 : i32
        %add3A_171 = arith.addi %mul3A_152, %add3A_170 : i32
        %get3A_172 = arith.index_cast %add3A_171 : i32 to index
        %get3A_173 = tpu.vector_load %arg5[%get3A_172] {strides = array<i32>} : memref<39936xf32, #tpu.memory_space<vmem>>, vector<16xf32>,
        %get3A_174 = vector.shape_cast %get3A_173 : vector<16xf32> to vector<16xf32>
        %add3A_175 = arith.constant 0 : i32
        %add3A_176 = arith.addi %add3A_154, %add3A_175 : i32
        %get3A_177 = arith.index_cast %add3A_176 : i32 to index
        %get3A_178 = tpu.vector_load %arg5[%get3A_177] {strides = array<i32>} : memref<39936xf32, #tpu.memory_space<vmem>>, vector<16xf32>,
        %get3A_179 = vector.shape_cast %get3A_178 : vector<16xf32> to vector<16xf32>
        %sub3A_180 = arith.subf %get3A_179, %get3A_174 : vector<16xf32>
        %mul3A_181 = arith.mulf %get3A_161, %sub3A_180 : vector<16xf32>
        %add3A_182 = arith.addf %get3A_174, %mul3A_181 : vector<16xf32>
        %add3A_183 = arith.constant 32 : i32
        %add3A_184 = arith.addi %mul3A_152, %add3A_183 : i32
        %get3A_185 = arith.index_cast %add3A_184 : i32 to index
        %get3A_186 = tpu.vector_load %arg5[%get3A_185] {strides = array<i32>} : memref<39936xf32, #tpu.memory_space<vmem>>, vector<16xf32>,
        %get3A_187 = vector.shape_cast %get3A_186 : vector<16xf32> to vector<16xf32>
        %add3A_188 = arith.constant 32 : i32
        %add3A_189 = arith.addi %add3A_154, %add3A_188 : i32
        %get3A_190 = arith.index_cast %add3A_189 : i32 to index
        %get3A_191 = tpu.vector_load %arg5[%get3A_190] {strides = array<i32>} : memref<39936xf32, #tpu.memory_space<vmem>>, vector<16xf32>,
        %get3A_192 = vector.shape_cast %get3A_191 : vector<16xf32> to vector<16xf32>
        %sub3A_193 = arith.subf %get3A_192, %get3A_187 : vector<16xf32>
        %mul3A_194 = arith.mulf %get3A_161, %sub3A_193 : vector<16xf32>
        %add3A_195 = arith.addf %get3A_187, %mul3A_194 : vector<16xf32>
        %sub3A_196 = arith.subf %add3A_195, %add3A_182 : vector<16xf32>
        %mul3A_197 = arith.constant 0.000000e+00 : f32
        %mul3A_198 = vector.broadcast %mul3A_197 : f32 to vector<16xf32>
        %mul3A_199 = arith.mulf %mul3A_198, %sub3A_196 : vector<16xf32>
        %add3A_200 = arith.addf %add3A_182, %mul3A_199 : vector<16xf32>
        %add3A_201 = arith.constant 0 : i32
        %add3A_202 = arith.addi %mul3A_163, %add3A_201 : i32
        %swap3A = arith.index_cast %add3A_202 : i32 to index
        %swap3A_203 = tpu.vector_load %arg7[%swap3A] {strides = array<i32>} : memref<36864xf32, #tpu.memory_space<vmem>>, vector<16xf32>,
        %swap3A_204 = vector.shape_cast %swap3A_203 : vector<16xf32> to vector<16xf32>
        %swap3A_205 = vector.shape_cast %add3A_200 : vector<16xf32> to vector<16xf32>
        tpu.vector_store %arg7[%swap3A], %swap3A_205 {strides = array<i32>} : memref<36864xf32, #tpu.memory_space<vmem>>, vector<16xf32>,
        %add3A_206 = arith.constant 16 : i32
        %add3A_207 = arith.addi %mul3A_152, %add3A_206 : i32
        %get3A_208 = arith.index_cast %add3A_207 : i32 to index
        %get3A_209 = tpu.vector_load %arg5[%get3A_208] {strides = array<i32>} : memref<39936xf32, #tpu.memory_space<vmem>>, vector<16xf32>,
        %get3A_210 = vector.shape_cast %get3A_209 : vector<16xf32> to vector<16xf32>
        %add3A_211 = arith.constant 16 : i32
        %add3A_212 = arith.addi %add3A_154, %add3A_211 : i32
        %get3A_213 = arith.index_cast %add3A_212 : i32 to index
        %get3A_214 = tpu.vector_load %arg5[%get3A_213] {strides = array<i32>} : memref<39936xf32, #tpu.memory_space<vmem>>, vector<16xf32>,
        %get3A_215 = vector.shape_cast %get3A_214 : vector<16xf32> to vector<16xf32>
        %sub3A_216 = arith.subf %get3A_215, %get3A_210 : vector<16xf32>
        %mul3A_217 = arith.mulf %get3A_161, %sub3A_216 : vector<16xf32>
        %add3A_218 = arith.addf %get3A_210, %mul3A_217 : vector<16xf32>
        %add3A_219 = arith.constant 48 : i32
        %add3A_220 = arith.addi %mul3A_152, %add3A_219 : i32
        %get3A_221 = arith.index_cast %add3A_220 : i32 to index
        %get3A_222 = tpu.vector_load %arg5[%get3A_221] {strides = array<i32>} : memref<39936xf32, #tpu.memory_space<vmem>>, vector<16xf32>,
        %get3A_223 = vector.shape_cast %get3A_222 : vector<16xf32> to vector<16xf32>
        %add3A_224 = arith.constant 48 : i32
        %add3A_225 = arith.addi %add3A_154, %add3A_224 : i32
        %get3A_226 = arith.index_cast %add3A_225 : i32 to index
        %get3A_227 = tpu.vector_load %arg5[%get3A_226] {strides = array<i32>} : memref<39936xf32, #tpu.memory_space<vmem>>, vector<16xf32>,
        %get3A_228 = vector.shape_cast %get3A_227 : vector<16xf32> to vector<16xf32>
        %sub3A_229 = arith.subf %get3A_228, %get3A_223 : vector<16xf32>
        %mul3A_230 = arith.mulf %get3A_161, %sub3A_229 : vector<16xf32>
        %add3A_231 = arith.addf %get3A_223, %mul3A_230 : vector<16xf32>
        %sub3A_232 = arith.subf %add3A_231, %add3A_218 : vector<16xf32>
        %mul3A_233 = arith.constant 0.000000e+00 : f32
        %mul3A_234 = vector.broadcast %mul3A_233 : f32 to vector<16xf32>
        %mul3A_235 = arith.mulf %mul3A_234, %sub3A_232 : vector<16xf32>
        %add3A_236 = arith.addf %add3A_218, %mul3A_235 : vector<16xf32>
        %add3A_237 = arith.constant 16 : i32
        %add3A_238 = arith.addi %mul3A_163, %add3A_237 : i32
        %swap3A_239 = arith.index_cast %add3A_238 : i32 to index
        %swap3A_240 = tpu.vector_load %arg7[%swap3A_239] {strides = array<i32>} : memref<36864xf32, #tpu.memory_space<vmem>>, vector<16xf32>,
        %swap3A_241 = vector.shape_cast %swap3A_240 : vector<16xf32> to vector<16xf32>
        %swap3A_242 = vector.shape_cast %add3A_236 : vector<16xf32> to vector<16xf32>
        tpu.vector_store %arg7[%swap3A_239], %swap3A_242 {strides = array<i32>} : memref<36864xf32, #tpu.memory_space<vmem>>, vector<16xf32>,
        %add3A_243 = arith.constant 64 : i32
        %add3A_244 = arith.addi %mul3A_152, %add3A_243 : i32
        %get3A_245 = arith.index_cast %add3A_244 : i32 to index
        %get3A_246 = tpu.vector_load %arg5[%get3A_245] {strides = array<i32>} : memref<39936xf32, #tpu.memory_space<vmem>>, vector<16xf32>,
        %get3A_247 = vector.shape_cast %get3A_246 : vector<16xf32> to vector<16xf32>
        %add3A_248 = arith.constant 64 : i32
        %add3A_249 = arith.addi %add3A_154, %add3A_248 : i32
        %get3A_250 = arith.index_cast %add3A_249 : i32 to index
        %get3A_251 = tpu.vector_load %arg5[%get3A_250] {strides = array<i32>} : memref<39936xf32, #tpu.memory_space<vmem>>, vector<16xf32>,
        %get3A_252 = vector.shape_cast %get3A_251 : vector<16xf32> to vector<16xf32>
        %sub3A_253 = arith.subf %get3A_252, %get3A_247 : vector<16xf32>
        %mul3A_254 = arith.mulf %get3A_161, %sub3A_253 : vector<16xf32>
        %add3A_255 = arith.addf %get3A_247, %mul3A_254 : vector<16xf32>
        %add3A_256 = arith.constant 96 : i32
        %add3A_257 = arith.addi %mul3A_152, %add3A_256 : i32
        %get3A_258 = arith.index_cast %add3A_257 : i32 to index
        %get3A_259 = tpu.vector_load %arg5[%get3A_258] {strides = array<i32>} : memref<39936xf32, #tpu.memory_space<vmem>>, vector<16xf32>,
        %get3A_260 = vector.shape_cast %get3A_259 : vector<16xf32> to vector<16xf32>
        %add3A_261 = arith.constant 96 : i32
        %add3A_262 = arith.addi %add3A_154, %add3A_261 : i32
        %get3A_263 = arith.index_cast %add3A_262 : i32 to index
        %get3A_264 = tpu.vector_load %arg5[%get3A_263] {strides = array<i32>} : memref<39936xf32, #tpu.memory_space<vmem>>, vector<16xf32>,
        %get3A_265 = vector.shape_cast %get3A_264 : vector<16xf32> to vector<16xf32>
        %sub3A_266 = arith.subf %get3A_265, %get3A_260 : vector<16xf32>
        %mul3A_267 = arith.mulf %get3A_161, %sub3A_266 : vector<16xf32>
        %add3A_268 = arith.addf %get3A_260, %mul3A_267 : vector<16xf32>
        %sub3A_269 = arith.subf %add3A_268, %add3A_255 : vector<16xf32>
        %mul3A_270 = arith.constant 0.01953125 : f32
        %mul3A_271 = vector.broadcast %mul3A_270 : f32 to vector<16xf32>
        %mul3A_272 = arith.mulf %mul3A_271, %sub3A_269 : vector<16xf32>
        %add3A_273 = arith.addf %add3A_255, %mul3A_272 : vector<16xf32>
        %add3A_274 = arith.constant 64 : i32
        %add3A_275 = arith.addi %mul3A_163, %add3A_274 : i32
        %swap3A_276 = arith.index_cast %add3A_275 : i32 to index
        %swap3A_277 = tpu.vector_load %arg7[%swap3A_276] {strides = array<i32>} : memref<36864xf32, #tpu.memory_space<vmem>>, vector<16xf32>,
        %swap3A_278 = vector.shape_cast %swap3A_277 : vector<16xf32> to vector<16xf32>
        %swap3A_279 = vector.shape_cast %add3A_273 : vector<16xf32> to vector<16xf32>
        tpu.vector_store %arg7[%swap3A_276], %swap3A_279 {strides = array<i32>} : memref<36864xf32, #tpu.memory_space<vmem>>, vector<16xf32>,
        %add3A_280 = arith.constant 80 : i32
        %add3A_281 = arith.addi %mul3A_152, %add3A_280 : i32
        %get3A_282 = arith.index_cast %add3A_281 : i32 to index
        %get3A_283 = tpu.vector_load %arg5[%get3A_282] {strides = array<i32>} : memref<39936xf32, #tpu.memory_space<vmem>>, vector<16xf32>,
        %get3A_284 = vector.shape_cast %get3A_283 : vector<16xf32> to vector<16xf32>
        %add3A_285 = arith.constant 80 : i32
        %add3A_286 = arith.addi %add3A_154, %add3A_285 : i32
        %get3A_287 = arith.index_cast %add3A_286 : i32 to index
        %get3A_288 = tpu.vector_load %arg5[%get3A_287] {strides = array<i32>} : memref<39936xf32, #tpu.memory_space<vmem>>, vector<16xf32>,
        %get3A_289 = vector.shape_cast %get3A_288 : vector<16xf32> to vector<16xf32>
        %sub3A_290 = arith.subf %get3A_289, %get3A_284 : vector<16xf32>
        %mul3A_291 = arith.mulf %get3A_161, %sub3A_290 : vector<16xf32>
        %add3A_292 = arith.addf %get3A_284, %mul3A_291 : vector<16xf32>
        %add3A_293 = arith.constant 112 : i32
        %add3A_294 = arith.addi %mul3A_152, %add3A_293 : i32
        %get3A_295 = arith.index_cast %add3A_294 : i32 to index
        %get3A_296 = tpu.vector_load %arg5[%get3A_295] {strides = array<i32>} : memref<39936xf32, #tpu.memory_space<vmem>>, vector<16xf32>,
        %get3A_297 = vector.shape_cast %get3A_296 : vector<16xf32> to vector<16xf32>
        %add3A_298 = arith.constant 112 : i32
        %add3A_299 = arith.addi %add3A_154, %add3A_298 : i32
        %get3A_300 = arith.index_cast %add3A_299 : i32 to index
        %get3A_301 = tpu.vector_load %arg5[%get3A_300] {strides = array<i32>} : memref<39936xf32, #tpu.memory_space<vmem>>, vector<16xf32>,
        %get3A_302 = vector.shape_cast %get3A_301 : vector<16xf32> to vector<16xf32>
        %sub3A_303 = arith.subf %get3A_302, %get3A_297 : vector<16xf32>
        %mul3A_304 = arith.mulf %get3A_161, %sub3A_303 : vector<16xf32>
        %add3A_305 = arith.addf %get3A_297, %mul3A_304 : vector<16xf32>
        %sub3A_306 = arith.subf %add3A_305, %add3A_292 : vector<16xf32>
        %mul3A_307 = arith.constant 0.01953125 : f32
        %mul3A_308 = vector.broadcast %mul3A_307 : f32 to vector<16xf32>
        %mul3A_309 = arith.mulf %mul3A_308, %sub3A_306 : vector<16xf32>
        %add3A_310 = arith.addf %add3A_292, %mul3A_309 : vector<16xf32>
        %add3A_311 = arith.constant 80 : i32
        %add3A_312 = arith.addi %mul3A_163, %add3A_311 : i32
        %swap3A_313 = arith.index_cast %add3A_312 : i32 to index
        %swap3A_314 = tpu.vector_load %arg7[%swap3A_313] {strides = array<i32>} : memref<36864xf32, #tpu.memory_space<vmem>>, vector<16xf32>,
        %swap3A_315 = vector.shape_cast %swap3A_314 : vector<16xf32> to vector<16xf32>
        %swap3A_316 = vector.shape_cast %add3A_310 : vector<16xf32> to vector<16xf32>
        tpu.vector_store %arg7[%swap3A_313], %swap3A_316 {strides = array<i32>} : memref<36864xf32, #tpu.memory_space<vmem>>, vector<16xf32>,
        %add3A_317 = arith.constant 128 : i32
        %add3A_318 = arith.addi %mul3A_152, %add3A_317 : i32
        %get3A_319 = arith.index_cast %add3A_318 : i32 to index
        %get3A_320 = tpu.vector_load %arg5[%get3A_319] {strides = array<i32>} : memref<39936xf32, #tpu.memory_space<vmem>>, vector<16xf32>,
        %get3A_321 = vector.shape_cast %get3A_320 : vector<16xf32> to vector<16xf32>
        %add3A_322 = arith.constant 128 : i32
        %add3A_323 = arith.addi %add3A_154, %add3A_322 : i32
        %get3A_324 = arith.index_cast %add3A_323 : i32 to index
        %get3A_325 = tpu.vector_load %arg5[%get3A_324] {strides = array<i32>} : memref<39936xf32, #tpu.memory_space<vmem>>, vector<16xf32>,
        %get3A_326 = vector.shape_cast %get3A_325 : vector<16xf32> to vector<16xf32>
        %sub3A_327 = arith.subf %get3A_326, %get3A_321 : vector<16xf32>
        %mul3A_328 = arith.mulf %get3A_161, %sub3A_327 : vector<16xf32>
        %add3A_329 = arith.addf %get3A_321, %mul3A_328 : vector<16xf32>
        %add3A_330 = arith.constant 160 : i32
        %add3A_331 = arith.addi %mul3A_152, %add3A_330 : i32
        %get3A_332 = arith.index_cast %add3A_331 : i32 to index
        %get3A_333 = tpu.vector_load %arg5[%get3A_332] {strides = array<i32>} : memref<39936xf32, #tpu.memory_space<vmem>>, vector<16xf32>,
        %get3A_334 = vector.shape_cast %get3A_333 : vector<16xf32> to vector<16xf32>
        %add3A_335 = arith.constant 160 : i32
        %add3A_336 = arith.addi %add3A_154, %add3A_335 : i32
        %get3A_337 = arith.index_cast %add3A_336 : i32 to index
        %get3A_338 = tpu.vector_load %arg5[%get3A_337] {strides = array<i32>} : memref<39936xf32, #tpu.memory_space<vmem>>, vector<16xf32>,
        %get3A_339 = vector.shape_cast %get3A_338 : vector<16xf32> to vector<16xf32>
        %sub3A_340 = arith.subf %get3A_339, %get3A_334 : vector<16xf32>
        %mul3A_341 = arith.mulf %get3A_161, %sub3A_340 : vector<16xf32>
        %add3A_342 = arith.addf %get3A_334, %mul3A_341 : vector<16xf32>
        %sub3A_343 = arith.subf %add3A_342, %add3A_329 : vector<16xf32>
        %mul3A_344 = arith.constant 3.906250e-02 : f32
        %mul3A_345 = vector.broadcast %mul3A_344 : f32 to vector<16xf32>
        %mul3A_346 = arith.mulf %mul3A_345, %sub3A_343 : vector<16xf32>
        %add3A_347 = arith.addf %add3A_329, %mul3A_346 : vector<16xf32>
        %add3A_348 = arith.constant 128 : i32
        %add3A_349 = arith.addi %mul3A_163, %add3A_348 : i32
        %swap3A_350 = arith.index_cast %add3A_349 : i32 to index
        %swap3A_351 = tpu.vector_load %arg7[%swap3A_350] {strides = array<i32>} : memref<36864xf32, #tpu.memory_space<vmem>>, vector<16xf32>,
        %swap3A_352 = vector.shape_cast %swap3A_351 : vector<16xf32> to vector<16xf32>
        %swap3A_353 = vector.shape_cast %add3A_347 : vector<16xf32> to vector<16xf32>
        tpu.vector_store %arg7[%swap3A_350], %swap3A_353 {strides = array<i32>} : memref<36864xf32, #tpu.memory_space<vmem>>, vector<16xf32>,
        %add3A_354 = arith.constant 144 : i32
        %add3A_355 = arith.addi %mul3A_152, %add3A_354 : i32
        %get3A_356 = arith.index_cast %add3A_355 : i32 to index
        %get3A_357 = tpu.vector_load %arg5[%get3A_356] {strides = array<i32>} : memref<39936xf32, #tpu.memory_space<vmem>>, vector<16xf32>,
        %get3A_358 = vector.shape_cast %get3A_357 : vector<16xf32> to vector<16xf32>
        %add3A_359 = arith.constant 144 : i32
        %add3A_360 = arith.addi %add3A_154, %add3A_359 : i32
        %get3A_361 = arith.index_cast %add3A_360 : i32 to index
        %get3A_362 = tpu.vector_load %arg5[%get3A_361] {strides = array<i32>} : memref<39936xf32, #tpu.memory_space<vmem>>, vector<16xf32>,
        %get3A_363 = vector.shape_cast %get3A_362 : vector<16xf32> to vector<16xf32>
        %sub3A_364 = arith.subf %get3A_363, %get3A_358 : vector<16xf32>
        %mul3A_365 = arith.mulf %get3A_161, %sub3A_364 : vector<16xf32>
        %add3A_366 = arith.addf %get3A_358, %mul3A_365 : vector<16xf32>
        %add3A_367 = arith.constant 176 : i32
        %add3A_368 = arith.addi %mul3A_152, %add3A_367 : i32
        %get3A_369 = arith.index_cast %add3A_368 : i32 to index
        %get3A_370 = tpu.vector_load %arg5[%get3A_369] {strides = array<i32>} : memref<39936xf32, #tpu.memory_space<vmem>>, vector<16xf32>,
        %get3A_371 = vector.shape_cast %get3A_370 : vector<16xf32> to vector<16xf32>
        %add3A_372 = arith.constant 176 : i32
        %add3A_373 = arith.addi %add3A_154, %add3A_372 : i32
        %get3A_374 = arith.index_cast %add3A_373 : i32 to index
        %get3A_375 = tpu.vector_load %arg5[%get3A_374] {strides = array<i32>} : memref<39936xf32, #tpu.memory_space<vmem>>, vector<16xf32>,
        %get3A_376 = vector.shape_cast %get3A_375 : vector<16xf32> to vector<16xf32>
        %sub3A_377 = arith.subf %get3A_376, %get3A_371 : vector<16xf32>
        %mul3A_378 = arith.mulf %get3A_161, %sub3A_377 : vector<16xf32>
        %add3A_379 = arith.addf %get3A_371, %mul3A_378 : vector<16xf32>
        %sub3A_380 = arith.subf %add3A_379, %add3A_366 : vector<16xf32>
        %mul3A_381 = arith.constant 3.906250e-02 : f32
        %mul3A_382 = vector.broadcast %mul3A_381 : f32 to vector<16xf32>
        %mul3A_383 = arith.mulf %mul3A_382, %sub3A_380 : vector<16xf32>
        %add3A_384 = arith.addf %add3A_366, %mul3A_383 : vector<16xf32>
        %add3A_385 = arith.constant 144 : i32
        %add3A_386 = arith.addi %mul3A_163, %add3A_385 : i32
        %swap3A_387 = arith.index_cast %add3A_386 : i32 to index
        %swap3A_388 = tpu.vector_load %arg7[%swap3A_387] {strides = array<i32>} : memref<36864xf32, #tpu.memory_space<vmem>>, vector<16xf32>,
        %swap3A_389 = vector.shape_cast %swap3A_388 : vector<16xf32> to vector<16xf32>
        %swap3A_390 = vector.shape_cast %add3A_384 : vector<16xf32> to vector<16xf32>
        tpu.vector_store %arg7[%swap3A_387], %swap3A_390 {strides = array<i32>} : memref<36864xf32, #tpu.memory_space<vmem>>, vector<16xf32>,
        %add3A_391 = arith.constant 2848 : i32
        %add3A_392 = arith.addi %mul3A_152, %add3A_391 : i32
        %get3A_393 = arith.index_cast %add3A_392 : i32 to index
        %get3A_394 = tpu.vector_load %arg5[%get3A_393] {strides = array<i32>} : memref<39936xf32, #tpu.memory_space<vmem>>, vector<16xf32>,
        %get3A_395 = vector.shape_cast %get3A_394 : vector<16xf32> to vector<16xf32>
        %add3A_396 = arith.constant 2848 : i32
        %add3A_397 = arith.addi %add3A_154, %add3A_396 : i32
        %get3A_398 = arith.index_cast %add3A_397 : i32 to index
        %get3A_399 = tpu.vector_load %arg5[%get3A_398] {strides = array<i32>} : memref<39936xf32, #tpu.memory_space<vmem>>, vector<16xf32>,
        %get3A_400 = vector.shape_cast %get3A_399 : vector<16xf32> to vector<16xf32>
        %sub3A_401 = arith.subf %get3A_400, %get3A_395 : vector<16xf32>
        %mul3A_402 = arith.mulf %get3A_161, %sub3A_401 : vector<16xf32>
        %add3A_403 = arith.addf %get3A_395, %mul3A_402 : vector<16xf32>
        %add3A_404 = arith.constant 2880 : i32
        %add3A_405 = arith.addi %mul3A_152, %add3A_404 : i32
        %get3A_406 = arith.index_cast %add3A_405 : i32 to index
        %get3A_407 = tpu.vector_load %arg5[%get3A_406] {strides = array<i32>} : memref<39936xf32, #tpu.memory_space<vmem>>, vector<16xf32>,
        %get3A_408 = vector.shape_cast %get3A_407 : vector<16xf32> to vector<16xf32>
        %add3A_409 = arith.constant 2880 : i32
        %add3A_410 = arith.addi %add3A_154, %add3A_409 : i32
        %get3A_411 = arith.index_cast %add3A_410 : i32 to index
        %get3A_412 = tpu.vector_load %arg5[%get3A_411] {strides = array<i32>} : memref<39936xf32, #tpu.memory_space<vmem>>, vector<16xf32>,
        %get3A_413 = vector.shape_cast %get3A_412 : vector<16xf32> to vector<16xf32>
        %sub3A_414 = arith.subf %get3A_413, %get3A_408 : vector<16xf32>
        %mul3A_415 = arith.mulf %get3A_161, %sub3A_414 : vector<16xf32>
        %add3A_416 = arith.addf %get3A_408, %mul3A_415 : vector<16xf32>
        %sub3A_417 = arith.subf %add3A_416, %add3A_403 : vector<16xf32>
        %mul3A_418 = arith.constant 0.9609375 : f32
        %mul3A_419 = vector.broadcast %mul3A_418 : f32 to vector<16xf32>
        %mul3A_420 = arith.mulf %mul3A_419, %sub3A_417 : vector<16xf32>
        %add3A_421 = arith.addf %add3A_403, %mul3A_420 : vector<16xf32>
        %add3A_422 = arith.constant 2912 : i32
        %add3A_423 = arith.addi %mul3A_163, %add3A_422 : i32
        %swap3A_424 = arith.index_cast %add3A_423 : i32 to index
        %swap3A_425 = tpu.vector_load %arg7[%swap3A_424] {strides = array<i32>} : memref<36864xf32, #tpu.memory_space<vmem>>, vector<16xf32>,
        %swap3A_426 = vector.shape_cast %swap3A_425 : vector<16xf32> to vector<16xf32>
        %swap3A_427 = vector.shape_cast %add3A_421 : vector<16xf32> to vector<16xf32>
        tpu.vector_store %arg7[%swap3A_424], %swap3A_427 {strides = array<i32>} : memref<36864xf32, #tpu.memory_space<vmem>>, vector<16xf32>,
        %add3A_428 = arith.constant 2864 : i32
        %add3A_429 = arith.addi %mul3A_152, %add3A_428 : i32
        %get3A_430 = arith.index_cast %add3A_429 : i32 to index
        %get3A_431 = tpu.vector_load %arg5[%get3A_430] {strides = array<i32>} : memref<39936xf32, #tpu.memory_space<vmem>>, vector<16xf32>,
        %get3A_432 = vector.shape_cast %get3A_431 : vector<16xf32> to vector<16xf32>
        %add3A_433 = arith.constant 2864 : i32
        %add3A_434 = arith.addi %add3A_154, %add3A_433 : i32
        %get3A_435 = arith.index_cast %add3A_434 : i32 to index
        %get3A_436 = tpu.vector_load %arg5[%get3A_435] {strides = array<i32>} : memref<39936xf32, #tpu.memory_space<vmem>>, vector<16xf32>,
        %get3A_437 = vector.shape_cast %get3A_436 : vector<16xf32> to vector<16xf32>
        %sub3A_438 = arith.subf %get3A_437, %get3A_432 : vector<16xf32>
        %mul3A_439 = arith.mulf %get3A_161, %sub3A_438 : vector<16xf32>
        %add3A_440 = arith.addf %get3A_432, %mul3A_439 : vector<16xf32>
        %add3A_441 = arith.constant 2896 : i32
        %add3A_442 = arith.addi %mul3A_152, %add3A_441 : i32
        %get3A_443 = arith.index_cast %add3A_442 : i32 to index
        %get3A_444 = tpu.vector_load %arg5[%get3A_443] {strides = array<i32>} : memref<39936xf32, #tpu.memory_space<vmem>>, vector<16xf32>,
        %get3A_445 = vector.shape_cast %get3A_444 : vector<16xf32> to vector<16xf32>
        %add3A_446 = arith.constant 2896 : i32
        %add3A_447 = arith.addi %add3A_154, %add3A_446 : i32
        %get3A_448 = arith.index_cast %add3A_447 : i32 to index
        %get3A_449 = tpu.vector_load %arg5[%get3A_448] {strides = array<i32>} : memref<39936xf32, #tpu.memory_space<vmem>>, vector<16xf32>,
        %get3A_450 = vector.shape_cast %get3A_449 : vector<16xf32> to vector<16xf32>
        %sub3A_451 = arith.subf %get3A_450, %get3A_445 : vector<16xf32>
        %mul3A_452 = arith.mulf %get3A_161, %sub3A_451 : vector<16xf32>
        %add3A_453 = arith.addf %get3A_445, %mul3A_452 : vector<16xf32>
        %sub3A_454 = arith.subf %add3A_453, %add3A_440 : vector<16xf32>
        %mul3A_455 = arith.constant 0.9609375 : f32
        %mul3A_456 = vector.broadcast %mul3A_455 : f32 to vector<16xf32>
        %mul3A_457 = arith.mulf %mul3A_456, %sub3A_454 : vector<16xf32>
        %add3A_458 = arith.addf %add3A_440, %mul3A_457 : vector<16xf32>
        %add3A_459 = arith.constant 2928 : i32
        %add3A_460 = arith.addi %mul3A_163, %add3A_459 : i32
        %swap3A_461 = arith.index_cast %add3A_460 : i32 to index
        %swap3A_462 = tpu.vector_load %arg7[%swap3A_461] {strides = array<i32>} : memref<36864xf32, #tpu.memory_space<vmem>>, vector<16xf32>,
        %swap3A_463 = vector.shape_cast %swap3A_462 : vector<16xf32> to vector<16xf32>
        %swap3A_464 = vector.shape_cast %add3A_458 : vector<16xf32> to vector<16xf32>
        tpu.vector_store %arg7[%swap3A_461], %swap3A_464 {strides = array<i32>} : memref<36864xf32, #tpu.memory_space<vmem>>, vector<16xf32>,
        %add3A_465 = arith.constant 2912 : i32
        %add3A_466 = arith.addi %mul3A_152, %add3A_465 : i32
        %get3A_467 = arith.index_cast %add3A_466 : i32 to index
        %get3A_468 = tpu.vector_load %arg5[%get3A_467] {strides = array<i32>} : memref<39936xf32, #tpu.memory_space<vmem>>, vector<16xf32>,
        %get3A_469 = vector.shape_cast %get3A_468 : vector<16xf32> to vector<16xf32>
        %add3A_470 = arith.constant 2912 : i32
        %add3A_471 = arith.addi %add3A_154, %add3A_470 : i32
        %get3A_472 = arith.index_cast %add3A_471 : i32 to index
        %get3A_473 = tpu.vector_load %arg5[%get3A_472] {strides = array<i32>} : memref<39936xf32, #tpu.memory_space<vmem>>, vector<16xf32>,
        %get3A_474 = vector.shape_cast %get3A_473 : vector<16xf32> to vector<16xf32>
        %sub3A_475 = arith.subf %get3A_474, %get3A_469 : vector<16xf32>
        %mul3A_476 = arith.mulf %get3A_161, %sub3A_475 : vector<16xf32>
        %add3A_477 = arith.addf %get3A_469, %mul3A_476 : vector<16xf32>
        %add3A_478 = arith.constant 2944 : i32
        %add3A_479 = arith.addi %mul3A_152, %add3A_478 : i32
        %get3A_480 = arith.index_cast %add3A_479 : i32 to index
        %get3A_481 = tpu.vector_load %arg5[%get3A_480] {strides = array<i32>} : memref<39936xf32, #tpu.memory_space<vmem>>, vector<16xf32>,
        %get3A_482 = vector.shape_cast %get3A_481 : vector<16xf32> to vector<16xf32>
        %add3A_483 = arith.constant 2944 : i32
        %add3A_484 = arith.addi %add3A_154, %add3A_483 : i32
        %get3A_485 = arith.index_cast %add3A_484 : i32 to index
        %get3A_486 = tpu.vector_load %arg5[%get3A_485] {strides = array<i32>} : memref<39936xf32, #tpu.memory_space<vmem>>, vector<16xf32>,
        %get3A_487 = vector.shape_cast %get3A_486 : vector<16xf32> to vector<16xf32>
        %sub3A_488 = arith.subf %get3A_487, %get3A_482 : vector<16xf32>
        %mul3A_489 = arith.mulf %get3A_161, %sub3A_488 : vector<16xf32>
        %add3A_490 = arith.addf %get3A_482, %mul3A_489 : vector<16xf32>
        %sub3A_491 = arith.subf %add3A_490, %add3A_477 : vector<16xf32>
        %mul3A_492 = arith.constant 0.98046875 : f32
        %mul3A_493 = vector.broadcast %mul3A_492 : f32 to vector<16xf32>
        %mul3A_494 = arith.mulf %mul3A_493, %sub3A_491 : vector<16xf32>
        %add3A_495 = arith.addf %add3A_477, %mul3A_494 : vector<16xf32>
        %add3A_496 = arith.constant 2976 : i32
        %add3A_497 = arith.addi %mul3A_163, %add3A_496 : i32
        %swap3A_498 = arith.index_cast %add3A_497 : i32 to index
        %swap3A_499 = tpu.vector_load %arg7[%swap3A_498] {strides = array<i32>} : memref<36864xf32, #tpu.memory_space<vmem>>, vector<16xf32>,
        %swap3A_500 = vector.shape_cast %swap3A_499 : vector<16xf32> to vector<16xf32>
        %swap3A_501 = vector.shape_cast %add3A_495 : vector<16xf32> to vector<16xf32>
        tpu.vector_store %arg7[%swap3A_498], %swap3A_501 {strides = array<i32>} : memref<36864xf32, #tpu.memory_space<vmem>>, vector<16xf32>,
        %add3A_502 = arith.constant 2928 : i32
        %add3A_503 = arith.addi %mul3A_152, %add3A_502 : i32
        %get3A_504 = arith.index_cast %add3A_503 : i32 to index
        %get3A_505 = tpu.vector_load %arg5[%get3A_504] {strides = array<i32>} : memref<39936xf32, #tpu.memory_space<vmem>>, vector<16xf32>,
        %get3A_506 = vector.shape_cast %get3A_505 : vector<16xf32> to vector<16xf32>
        %add3A_507 = arith.constant 2928 : i32
        %add3A_508 = arith.addi %add3A_154, %add3A_507 : i32
        %get3A_509 = arith.index_cast %add3A_508 : i32 to index
        %get3A_510 = tpu.vector_load %arg5[%get3A_509] {strides = array<i32>} : memref<39936xf32, #tpu.memory_space<vmem>>, vector<16xf32>,
        %get3A_511 = vector.shape_cast %get3A_510 : vector<16xf32> to vector<16xf32>
        %sub3A_512 = arith.subf %get3A_511, %get3A_506 : vector<16xf32>
        %mul3A_513 = arith.mulf %get3A_161, %sub3A_512 : vector<16xf32>
        %add3A_514 = arith.addf %get3A_506, %mul3A_513 : vector<16xf32>
        %add3A_515 = arith.constant 2960 : i32
        %add3A_516 = arith.addi %mul3A_152, %add3A_515 : i32
        %get3A_517 = arith.index_cast %add3A_516 : i32 to index
        %get3A_518 = tpu.vector_load %arg5[%get3A_517] {strides = array<i32>} : memref<39936xf32, #tpu.memory_space<vmem>>, vector<16xf32>,
        %get3A_519 = vector.shape_cast %get3A_518 : vector<16xf32> to vector<16xf32>
        %add3A_520 = arith.constant 2960 : i32
        %add3A_521 = arith.addi %add3A_154, %add3A_520 : i32
        %get3A_522 = arith.index_cast %add3A_521 : i32 to index
        %get3A_523 = tpu.vector_load %arg5[%get3A_522] {strides = array<i32>} : memref<39936xf32, #tpu.memory_space<vmem>>, vector<16xf32>,
        %get3A_524 = vector.shape_cast %get3A_523 : vector<16xf32> to vector<16xf32>
        %sub3A_525 = arith.subf %get3A_524, %get3A_519 : vector<16xf32>
        %mul3A_526 = arith.mulf %get3A_161, %sub3A_525 : vector<16xf32>
        %add3A_527 = arith.addf %get3A_519, %mul3A_526 : vector<16xf32>
        %sub3A_528 = arith.subf %add3A_527, %add3A_514 : vector<16xf32>
        %mul3A_529 = arith.constant 0.98046875 : f32
        %mul3A_530 = vector.broadcast %mul3A_529 : f32 to vector<16xf32>
        %mul3A_531 = arith.mulf %mul3A_530, %sub3A_528 : vector<16xf32>
        %add3A_532 = arith.addf %add3A_514, %mul3A_531 : vector<16xf32>
        %add3A_533 = arith.constant 2992 : i32
        %add3A_534 = arith.addi %mul3A_163, %add3A_533 : i32
        %swap3A_535 = arith.index_cast %add3A_534 : i32 to index
        %swap3A_536 = tpu.vector_load %arg7[%swap3A_535] {strides = array<i32>} : memref<36864xf32, #tpu.memory_space<vmem>>, vector<16xf32>,
        %swap3A_537 = vector.shape_cast %swap3A_536 : vector<16xf32> to vector<16xf32>
        %swap3A_538 = vector.shape_cast %add3A_532 : vector<16xf32> to vector<16xf32>
        tpu.vector_store %arg7[%swap3A_535], %swap3A_538 {strides = array<i32>} : memref<36864xf32, #tpu.memory_space<vmem>>, vector<16xf32>,
        %scan3A_539 = arith.constant 0 : i32
        scf.yield %scan3A_539 : i32
      }
      %scan3A_115 = arith.constant 12 : i32
      %mul3A_116 = arith.constant 32 : i32
      %mul3A_117 = arith.muli %select_n3A, %mul3A_116 : i32
      %add3A_118 = arith.addi %mul3A_117, %add3A_91 : i32
      %mul3A_119 = arith.constant 96 : i32
      %mul3A_120 = arith.muli %add3A_118, %mul3A_119 : i32
      %add3A_121 = arith.addi %mul3A_120, %mul3A_32 : i32
      %mul3A_122 = arith.constant 3072 : i32
      %mul3A_123 = arith.muli %add3A_121, %mul3A_122 : i32
      %multiple_of3A_124 = tpu.assume_multiple %mul3A_123, 3072 : i32
      "tpu.region"() ({
        %run_scoped3A = tpu.sem_alloc : memref<!tpu.dma_semaphore, #tpu.memory_space<semaphore_mem>>
        %dma_start3A = tpu.memref_slice %arg4[%multiple_of3A_124] : memref<37748736xf32, #tpu.memory_space<hbm>> -> memref<36864xf32, #tpu.memory_space<hbm>>
        %dma_start3A_126 = tpu.memref_slice %arg4[%multiple_of3A_124] : memref<37748736xf32, #tpu.memory_space<hbm>> -> memref<36864xf32, #tpu.memory_space<hbm>>
        tpu.enqueue_dma source(%arg7 : memref<36864xf32, #tpu.memory_space<vmem>>) target(%dma_start3A_126 : memref<36864xf32, #tpu.memory_space<hbm>>) target_semaphore(%run_scoped3A : memref<!tpu.dma_semaphore, #tpu.memory_space<semaphore_mem>>)
        %dma_wait3A = tpu.memref_slice %arg4[%multiple_of3A_124] : memref<37748736xf32, #tpu.memory_space<hbm>> -> memref<36864xf32, #tpu.memory_space<hbm>>
        %dma_wait3A_127 = tpu.memref_slice %arg4[%multiple_of3A_124] : memref<37748736xf32, #tpu.memory_space<hbm>> -> memref<36864xf32, #tpu.memory_space<hbm>>
        tpu.wait_dma2 semaphore(%run_scoped3A : memref<!tpu.dma_semaphore, #tpu.memory_space<semaphore_mem>>) src(%arg7 : memref<36864xf32, #tpu.memory_space<vmem>>) dst(%dma_wait3A_127 : memref<36864xf32, #tpu.memory_space<hbm>>)
        tpu.yield
      }) : () -> ()
      %scan3A_125 = arith.constant 0 : i32
      scf.yield %scan3A_125 : i32
    }
    %scan3A_50 = arith.constant 16 : i32
    return
  }
}

</mosaic_0001>

<sc_bundles>
// kernel: kernel.3.cloned.1.call-start
scs
__scs_entry_jumppad:
0x0: {  	(pc) =	sbr.rel $0x88, $3  }
0x1: {  	(tag) =	ssettag $0x0;
	lr =	simm.s32 $0x1  }
0x2: {  	[smem:$0x3FA0] =	sst lr;
	_ =	strace $0xD0000000  }
0x3: {  	_ = 	snop  }
0x4: {  	_ = 	snop  }
0x5: {  	_ = 	snop  }
0x6: {  	_ = 	snop  }
0x7: {  	_ = 	snop  }
__scs_overlays_trampoline_lowered:
0x8: {  	[smem:$0x3FAF] =	sst s0  }
0x9: {  	[smem:$0x3FB0] =	sst s1  }
0xa: {  	[smem:$0x3FB1] =	sst s2  }
0xb: {  	[smem:$0x3FB2] =	sst s3  }
0xc: {  	[smem:$0x3FB3] =	sst s4  }
0xd: {  	[smem:$0x3FB4] =	sst s5  }
0xe: {  	[smem:$0x3FB5] =	sst s6  }
0xf: {  	[smem:$0x3FB6] =	sst s7  }
0x10: {  	[smem:$0x3FB7] =	sst s8  }
0x11: {  	[smem:$0x3FB8] =	sst s9;
	s0 =	simm.s32 @!p0 $0x0  }
0x12: {  	s1 =	sld [smem:$0x3F9E];
	s0 =	simm.s32 @p0 $0x1  }
0x13: {  	[smem:$0x3FB9] =	sst s0;
	s0 =	simm.s32 @!p1 $0x0  }
0x14: {  	s2 =	sld [smem:$0x3F9D];
	s0 =	simm.s32 @p1 $0x1  }
0x15: {  	[smem:$0x3FBA] =	sst s0;
	s0 =	simm.s32 @!p2 $0x0  }
0x16: {  	s3 =	sld [smem:$0x3FDB];
	s0 =	simm.s32 @p2 $0x1  }
0x17: {  	s4 =	simm.s32 $0x1BF5;
	[smem:$0x3FBC] =	sst s0  }
0x18: {  	s0 =	sld [smem:$0x3F9F];
	_ =	swait.ge [sflag:s4], $0x0  }
0x19: {  	s7 =	sld [smem:$0x3FA0]  }
0x1a: {  	s8 =	sadd.s32 $0xFFFFE003, lr  }
0x1b: {  	s9 =	sadd.s32 $0xFFFFFEF7, lr;
	s5 =	simm.s32 $0xFFFFFFFF;
	p2 =	slt.u32 s8, $0xFFFFF086  }
0x1c: {  	p1 =	slt.u32 s9, $0xF7A;
	s5 =	simm.s32 @!p2 $0x0  }
0x1d: {  	s5 =	simm.s32 @p1 $0x1;
	p0 =	seq.s32 s7, s2  }
0x1e: {  	s7 =	smul.u32 @!p0 $0xF7A, s2;
	p2 =	seq.s32 @!p0 s5, $0x0  }
0x1f: {  	s9 =	smul.u32 $0xF7A, s1;
	s8 =	simm.s32 @!p0 $0x1BF5;
	p2 =	por !p2, p0  }
0x20: {  	[sflag:s8] =	ssyncset.s32 @!p0 $0xFFFFF086;
	s6 =	sadd.s32 @!p0 s3, s7;
	s7 =	simm.s32 @!p0 $0x108  }
0x21: {  	s3 =	sadd.s32 s3, s9;
	s6 =	sadd.s32 @!p0 $0x88, s6;
	s7 =	simm.s32 @p2 $0x1082  }
0x22: {  	[simem:s7], [sflag:s8] =	dma.local @!p0 [hbm:s6], $0xF7A  }
0x23: {  	s9 =	sor.u32 $0xD0000000, s2;
	s6 =	simm.s32 $0x108;
	_ =	swait.ge @!p0 [sflag:s8], $0x0  }
0x24: {  	s3 =	sadd.s32 $0x88, s3;
	s6 =	simm.s32 @!p1 $0x1082;
	[sflag:s4] =	ssyncset.s32 $0xFFFFF086  }
0x25: {  	[simem:s6], [sflag:s4] =	dma.local [hbm:s3], $0xF7A  }
0x26: {  	[smem:$0x3FA0] =	sst s1;
	(tag) =	ssettag s2;
	_ =	strace s9  }
0x27: {  	s1 =	sld [smem:$0x3FB0]  }
0x28: {  	s2 =	sld [smem:$0x3FB1]  }
0x29: {  	s4 =	sld [smem:$0x3FB3]  }
0x2a: {  	p0 =	seq.s32 s5, $0x0;
	s5 =	sld [smem:$0x3FB4]  }
0x2b: {  	s6 =	sld [smem:$0x3FB5]  }
0x2c: {  	s7 =	sld [smem:$0x3FB6]  }
0x2d: {  	s3 =	simm.s32 $0x108;
	s8 =	sld [smem:$0x3FB7]  }
0x2e: {  	s3 =	simm.s32 @!p0 $0x1082;
	s9 =	sld [smem:$0x3FB8]  }
0x2f: {  	lr =	sadd.s32 s0, s3;
	s0 =	sld [smem:$0x3FAF]  }
0x30: {  	s3 =	sld [smem:$0x3FB2]  }
0x31: {  	[smem:$0x3FBB] =	sst s10  }
0x32: {  	s10 =	sld [smem:$0x3FB9];
	_ =	sdelay $0x3  }
0x33: {  	p0 =	seq.s32 s10, $0x1;
	s10 =	sld [smem:$0x3FBB];
	_ =	sdelay $0x3  }
0x34: {  	[smem:$0x3FBB] =	sst s10  }
0x35: {  	s10 =	sld [smem:$0x3FBA];
	_ =	sdelay $0x3  }
0x36: {  	p1 =	seq.s32 s10, $0x1;
	s10 =	sld [smem:$0x3FBB];
	_ =	sdelay $0x3  }
0x37: {  	[smem:$0x3FBB] =	sst s10  }
0x38: {  	s10 =	sld [smem:$0x3FBC]  }
0x39: {  	_ = 	snop;
	(pc) =	sbr.ind lr, $3  }
0x3a: {  	_ = 	snop  }
0x3b: {  	_ = 	snop  }
0x3c: {  	p2 =	seq.s32 s10, $0x1;
	s10 =	sld [smem:$0x3FBB]  }
0x3d: {  	_ =	shalt  }
0x3e: {  	_ =	shalt  }
0x3f: {  	_ =	shalt  }
0x40: {  	_ =	shalt  }
0x41: {  	_ =	shalt  }
0x42: {  	_ =	shalt  }
0x43: {  	_ =	shalt  }
0x44: {  	_ =	shalt  }
0x45: {  	_ =	shalt  }
0x46: {  	_ =	shalt  }
0x47: {  	_ =	shalt  }
0x48: {  	_ =	shalt  }
0x49: {  	_ =	shalt  }
0x4a: {  	_ =	shalt  }
0x4b: {  	_ =	shalt  }
0x4c: {  	_ =	shalt  }
0x4d: {  	_ =	shalt  }
0x4e: {  	_ =	shalt  }
0x4f: {  	_ =	shalt  }
0x50: {  	_ =	shalt  }
0x51: {  	_ =	shalt  }
0x52: {  	_ =	shalt  }
0x53: {  	_ =	shalt  }
0x54: {  	_ =	shalt  }
0x55: {  	_ =	shalt  }
0x56: {  	_ =	shalt  }
0x57: {  	_ =	shalt  }
0x58: {  	_ =	shalt  }
0x59: {  	_ =	shalt  }
0x5a: {  	_ =	shalt  }
0x5b: {  	_ =	shalt  }
0x5c: {  	_ =	shalt  }
0x5d: {  	_ =	shalt  }
0x5e: {  	_ =	shalt  }
0x5f: {  	_ =	shalt  }
0x60: {  	_ =	shalt  }
0x61: {  	_ =	shalt  }
0x62: {  	_ =	shalt  }
0x63: {  	_ =	shalt  }
0x64: {  	_ =	shalt  }
0x65: {  	_ =	shalt  }
0x66: {  	_ =	shalt  }
0x67: {  	_ =	shalt  }
0x68: {  	_ =	shalt  }
0x69: {  	_ =	shalt  }
0x6a: {  	_ =	shalt  }
0x6b: {  	_ =	shalt  }
0x6c: {  	_ =	shalt  }
0x6d: {  	_ =	shalt  }
0x6e: {  	_ =	shalt  }
0x6f: {  	_ =	shalt  }
0x70: {  	_ =	shalt  }
0x71: {  	_ =	shalt  }
0x72: {  	_ =	shalt  }
0x73: {  	_ =	shalt  }
0x74: {  	_ =	shalt  }
0x75: {  	_ =	shalt  }
0x76: {  	_ =	shalt  }
0x77: {  	_ =	shalt  }
0x78: {  	_ =	shalt  }
0x79: {  	_ =	shalt  }
0x7a: {  	_ =	shalt  }
0x7b: {  	_ =	shalt  }
0x7c: {  	_ =	shalt  }
0x7d: {  	_ =	shalt  }
0x7e: {  	_ =	shalt  }
0x7f: {  	_ =	shalt  }
0x80: {  	_ =	shalt  }
0x81: {  	_ =	shalt  }
0x82: {  	_ =	shalt  }
0x83: {  	_ =	shalt  }
0x84: {  	_ =	shalt  }
0x85: {  	_ =	shalt  }
0x86: {  	_ =	shalt  }
0x87: {  	_ =	shalt  }
.Lfunc_end0:
.L_simem_size_0:
called_computation.1_lowered:
.L_overlay_start_0:
0x88: {  	s2 =	sld [smem:$0x3FD9]  }
0x89: {  	s3 =	sld [smem:$0x3FFE];
	_ =	sdelay $0x1  }
0x8a: {  	s1 =	srdreg.scid  }
0x8b: {  	s0 =	sand.u32 $0x1, s1  }
0x8c: {  	s17 =	sshll.u32 s0, $0xA;
	s2 =	sadd.s32 s3, s2  }
0x8d: {  	s2 =	sadd.s32 s2, s17  }
0x8e: {  	[smem:$0x3FC7] =	sst s2  }
0x8f: {  	_ = 	snop  }
0x90: {  	s2 =	sld [smem:$0x3FD0];
	(tm) =	ssettm $0x1  }
0x91: {  	s18 =	sld [smem:$0x3FFB];
	_ =	sdelay $0x3  }
0x92: {  	_ =	strace s18  }
0x93: {  	s3 =	sld [smem:$0x3FFC];
	_ =	sdelay $0x3  }
0x94: {  	_ =	strace s3  }
0x95: {  	s3 =	sld [smem:$0x3FFD];
	_ =	sdelay $0x3  }
0x96: {  	_ =	strace s3  }
0x97: {  	_ =	strace $0x8FFFFFFF  }
0x98: {  	s19 =	sld [smem:$0x3FDB];
	_ =	sdelay $0x1  }
0x99: {  	s4 =	simm.s32 $_scs_section_size  }
0x9a: {  	s5 =	simm.s32 $_size__tile_overlayer_lowered;
	s6 =	simm.s32 $_tile_overlayer_lowered  }
0x9b: {  	s22 =	simm.s32 $0x1BFF;
	s21 =	sshll.u32 s6, $0x1;
	s3 =	sadd.s32 s4, s19  }
0x9c: {  	s7 =	simm.s32 $0x0;
	s20 =	sshll.u32 s5, $0x1;
	s5 =	sadd.s32 s21, s3  }
0x9d: {  	[timem:s7], [sflag:s22] =	dma.local [hbm:s5], s20  }
0x9e: {  	_ =	swait.ge [sflag:s22], s20  }
0x9f: {  	s4 =	ssub.s32 $0x0, s20;
	[sflag:s22] =	ssyncset.done $0x0  }
0xa0: {  	[sflag:s22] =	ssyncadd.s32 s4;
	_ =	sdelay $0x1  }
0xa1: {  	s23 =	simm.s32 $0x1B8B  }
0xa2: {  	_ =	swait.ge [sflag:s23], $0x1  }
0xa3: {  	[sflag:s23] =	ssyncset.done $0x0  }
0xa4: {  	s25 =	simm.s32 $0x1B8E;
	s24 =	sld [smem:$0x3FFE];
	[sflag:s23] =	ssyncadd.s32 $0xFFFFFFFF  }
0xa5: {  	s26 =	simm.s32 $execute0_lowered;
	[smem:$0x3FD2] =	sst s25  }
0xa6: {  	s5 =	sshll.u32 s26, $0x1;
	_ =	strace $0x80000046;
	[dreg:$0x1] =	wrdreg $0xFFFFFFFF  }
0xa7: {  	s28 =	simm.s32 $_size_execute0_lowered;
	s3 =	sadd.s32 s3, s5;
	[dreg:$0x0] =	wrdreg $0x0  }
0xa8: {  	s5 =	sshll.u32 s28, $0x1;
	[dreg:$0x2] =	wrdreg s3  }
0xa9: {  	[dreg:$0x3] =	wrdreg s5  }
0xaa: {  	[dreg:$0x4] =	wrdreg $0xC0  }
0xab: {  	_ =	task [dreg:s7], $0x5FFFF  }
0xac: {  	[dreg:$0x1] =	wrdreg $0xFFFFFFFF  }
0xad: {  	[dreg:$0x0] =	wrdreg $0x60  }
0xae: {  	[dreg:$0x2] =	wrdreg s2  }
0xaf: {  	[dreg:$0x3] =	wrdreg s24  }
0xb0: {  	[dreg:$0x4] =	wrdreg $0x9  }
0xb1: {  	_ =	task.clear_ibuf [dreg:s7], $0x5FFFF;
	_ =	strace $0x90000046  }
0xb2: {  	s29 =	simm.s32 $0x9;
	_ =	strace $0x80000048  }
0xb3: {  	_ =	swait.ge [sflag:s29], $0x1  }
0xb4: {  	[sflag:s29] =	ssyncadd.s32 $0xFFFFFFFF  }
0xb5: {  	_ =	strace $0x90000048  }
0xb6: {  	_ =	sfence  }
0xb7: {  	s30 =	sld [smem:$0x0];
	_ =	sdelay $0x2  }
0xb8: {  	s31 =	sshll.u32 s1, $0xD;
	s1 =	sshrl.u32 s1, $0x2  }
0xb9: {  	s3 =	sand.u32 $0x4000, s31;
	s1 =	sadd.s32 s1, s30  }
0xba: {  	s0 =	sor.u32 s3, s0;
	s1 =	sshll.u32 s1, $0x11  }
0xbb: {  	s0 =	sor.u32 s1, s0  }
0xbc: {  	s0 =	sadd.s32 $0x8F2B, s0  }
0xbd: {  	[sflag:s0] =	ssyncadd.remote.s32 $0x1  }
0xbe: {  	_ =	sfence.sel $0xFFFF  }
0xbf: {  	[dreg:$0x0] =	wrdreg $0xFFFFFFFF;
	(pc) =	sbr.abs _section_cstart, $3  }
0xc0: {  	[dreg:$0x1] =	wrdreg $0xFFFFFFFF  }
0xc1: {  	_ =	task.clear_ibuf [dreg:s7], $0x2FFFF;
	_ =	strace $0x9FFFFFFF  }
0xc2: {  	(tm) =	ssettm $0x7FFFFFFF  }
0xc3: {  	_ =	shalt  }
tec
execute0_lowered:
.L_overlay_start_1:
0x0: {  	(tag) =	ssettag $0x1  }
0x1: {  	s2 =	rddreg [dreg:$0x0]  }
0x2: {  	s0 =	rddreg [dreg:$0x1]  }
0x3: {  	s5 =	stileid.u32;
	s1 =	srdreg.scid  }
0x4: {  	s3 =	simm.s32 $0x0;
	s7 =	simm.s32 $0x1;
	s15 =	simm.s32 $0x9C00  }
0x5: {  	s16 =	simm.s32 $0x13800;
	s17 =	simm.s32 $0x0;
	s4 =	sshll.u32 s5, $0x1  }
0x6: {  	s1 =	sand.u32 $0x1, s1;
	[smem:$0x7FF] =	sst s3;
	s4 =	sand.u32 $0x6, s4  }
0x7: {  	s10 =	sshrl.u32 s5, $0x2;
	s29 =	sadd.s32 $0xA00, s0;
	s28 =	sor.u32 s1, s4  }
0x8: {  	s6 =	sadd.s32 $0xE00, s0;
	s4 =	smul.u32 $0xC, s28;
	p0 =	sne.s32 s28, $0x0  }
0x9: {  	_ =	strace $0x80000047;
	s8 =	smul.u32 $0xC00, s10;
	s7 =	simm.s32 @!p0 $0x0  }
0xa: {  	[dreg:$0x4] =	wrdreg s29;
	s30 =	ssub.s32 $0x2, s1;
	s7 =	ssub.s32 s4, s7  }
0xb: {  	s1 =	simm.s32 $0xFFFFFFFF;
	s9 =	sshrl.u32 s30, $0x1;
	s8 =	sadd.s32 s8, s7  }
0xc: {  	s0 =	ssub.s32 s30, s9;
	s1 =	simm.s32 @!p0 $0x0;
	s11 =	smul.u32 $0x180, s8  }
0xd: {  	s10 =	sshll.u32 s10, $0x5;
	s0 =	smax.u32 s0, $0x1;
	s1 =	smul.u32 $0xC00, s1  }
0xe: {  	[dreg:$0x6] =	wrdreg s0;
	s8 =	simm.s32 $0x1;
	s31 =	sadd.s32 s2, s11  }
0xf: {  	s13 =	ssub.s32 $0xFFFFF400, s1;
	s11 =	sxor.u32 $0xFFFFFFFF, s7;
	[dreg:$0x5] =	wrdreg s31  }
.LBB2_1:
0x10: {  	s0 =	rddreg [dreg:$0x4];
	s1 =	simm.s32 $0x1C800  }
0x11: {  	[tilespmem:s1], [sflag:$0x1] =	stream.linear.gather [hbm4b:s0+s3], $0x1400, $0x38;
	[tilespmem:$0x1DC00] =	vst v63  }
0x12: {  	_ =	swait.ge [sflag:s8], $0x1400  }
0x13: {  	[sflag:s8] =	ssyncset.done $0x0  }
0x14: {  	s31 =	rddreg [dreg:$0x5];
	[sflag:s8] =	ssyncadd.s32 $0xFFFFEC00  }
0x15: {  	[tilespmem:s15], [sflag:$0x1] =	stream.linear.gather [hbm4b:s31+s3], $0x9C00, $0x38;
	[tilespmem:$0x1DC00] =	vst v63  }
0x16: {  	_ =	swait.ge [sflag:s8], $0x9C00  }
0x17: {  	[sflag:s8] =	ssyncset.done $0x0  }
0x18: {  	s18 =	simm.s32 $0x0;
	[sflag:s8] =	ssyncadd.s32 $0xFFFF6400  }
.LBB2_2:
0x19: {  	s19 =	sshll.u32 s18, $0x1  }
0x1a: {  	s0 =	sor.u32 s10, s19  }
0x1b: {  	s20 =	smul.u32 $0x60, s0;
	_ =	sdelay $0x1  }
0x1c: {  	s0 =	sadd.s32 s7, s20  }
0x1d: {  	s0 =	smul.u32 $0x180, s0;
	_ =	sdelay $0x1  }
0x1e: {  	s0 =	sadd.s32 s2, s0  }
0x1f: {  	[tilespmem:s3], [sflag:$0x1] =	stream.linear.gather [hbm4b:s0+s3], $0x9C00, $0x38;
	[tilespmem:$0x1DC00] =	vst v63  }
0x20: {  	_ =	swait.ge [sflag:s8], $0x9C00  }
0x21: {  	s30 =	sshll.u32 s18, $0x5;
	[sflag:s8] =	ssyncset.done $0x0  }
0x22: {  	s0 =	sand.u32 $0x3FFFFFE0, s30;
	[sflag:s8] =	ssyncadd.s32 $0xFFFF6400  }
0x23: {  	s31 =	simm.s32 $0x40;
	v0 =	vld [tilespmem:s0+$0x1C800]  }
0x24: {  	s23 =	simm.s32 $0x9C40;
	v5 =	vld [tilespmem:s31+$0x30]  }
0x25: {  	v3 =	vld [tilespmem:s23+$0x30]  }
0x26: {  	v1 =	vld [tilespmem:s23+$0xFFFFFFC0]  }
0x27: {  	v6 =	vld [tilespmem:s31+$0xFFFFFFD0]  }
0x28: {  	v4 =	vld [tilespmem:s23+$0xFFFFFFD0]  }
0x29: {  	v9 =	vld [tilespmem:s31+$0xFFFFFFE0]  }
0x2a: {  	v7 =	vld [tilespmem:s23+$0xFFFFFFE0]  }
0x2b: {  	v2 =	vld [tilespmem:s31+$0xFFFFFFF0]  }
0x2c: {  	v10 =	vld [tilespmem:s23+$0xFFFFFFF0];
	v8 =	vsub.f32 v3, v5  }
0x2d: {  	v11 =	vld [tilespmem:s23+$0x0];
	v4 =	vsub.f32 v4, v6  }
0x2e: {  	v3 =	vld [tilespmem:s31+$0x0];
	v8 =	vmul.f32 v8, v0  }
0x2f: {  	v13 =	vsub.f32 v7, v9;
	v7 =	vld [tilespmem:s23+$0x10];
	v12 =	vmul.f32 v4, v0  }
0x30: {  	v4 =	vld [tilespmem:s31+$0x10];
	v8 =	vadd.f32 v8, v5  }
0x31: {  	v10 =	vsub.f32 v10, v2;
	v13 =	vmul.f32 v13, v0;
	v12 =	vadd.f32 v12, v6;
	v5 =	vld [tilespmem:s31+$0x20]  }
0x32: {  	s1 =	simm.s32 $0x0;
	[tilespmem:s23+$0x30] =	vst v8;
	v8 =	vld [tilespmem:s23+$0x20]  }
0x33: {  	s21 =	simm.s32 $0xFFFFF400;
	s14 =	simm.s32 $0xC0;
	s0 =	simm.s32 $0x9C40;
	v10 =	vmul.f32 v10, v0;
	v6 =	vld [tilespmem:s31+$0xFFFFFFC0];
	v9 =	vadd.f32 v13, v9;
	v11 =	vsub.f32 v11, v3;
	[tilespmem:s23+$0xFFFFFFD0] =	vst v12  }
.LBB2_3:
0x34: {  	v12 =	vld [tilespmem:s14+$0x30];
	s23 =	sadd.s32 $0x80, s23  }
0x35: {  	s1 =	sadd.s32 $0x8, s1;
	v13 =	vld [tilespmem:s23+$0x30];
	[tilespmem:s0+$0xFFFFFFE0] =	vst v9;
	v2 =	vadd.f32 v10, v2;
	v9 =	vmul.f32 v11, v0;
	v7 =	vsub.f32 v7, v4  }
0x36: {  	p0 =	slt.u32 s1, $0x9B8;
	v10 =	vld [tilespmem:s23+$0xFFFFFFC0]  }
0x37: {  	v11 =	vld [tilespmem:s14+$0xFFFFFFD0];
	[tilespmem:s0+$0xFFFFFFF0] =	vst v2;
	v2 =	vadd.f32 v9, v3;
	v3 =	vmul.f32 v7, v0;
	v7 =	vsub.f32 v8, v5  }
0x38: {  	v8 =	vld [tilespmem:s23+$0xFFFFFFD0];
	v15 =	vsub.f32 v1, v6  }
0x39: {  	v9 =	vld [tilespmem:s14+$0xFFFFFFE0];
	[tilespmem:s0+$0x0] =	vst v2;
	v3 =	vadd.f32 v3, v4;
	v4 =	vmul.f32 v7, v0  }
0x3a: {  	v7 =	vld [tilespmem:s23+$0xFFFFFFE0];
	v13 =	vsub.f32 v13, v12;
	v14 =	vmul.f32 v15, v0  }
0x3b: {  	v2 =	vld [tilespmem:s14+$0xFFFFFFF0];
	[tilespmem:s0+$0x10] =	vst v3;
	v4 =	vadd.f32 v4, v5;
	v1 =	vmov v10  }
0x3c: {  	v5 =	vld [tilespmem:s23+$0xFFFFFFF0];
	v10 =	vmul.f32 v13, v0;
	v6 =	vadd.f32 v14, v6  }
0x3d: {  	v8 =	vsub.f32 v8, v11;
	v3 =	vld [tilespmem:s14+$0x0];
	[tilespmem:s0+$0x20] =	vst v4  }
0x3e: {  	v13 =	vld [tilespmem:s23+$0x0];
	v10 =	vadd.f32 v10, v12;
	[tilespmem:s0+$0xFFFFFFC0] =	vst v6;
	s0 =	smov.u32 s23  }
.Ltmp0:
0x3f: {  	v6 =	vmul.f32 v8, v0;
	v8 =	vsub.f32 v7, v9;
	v4 =	vld [tilespmem:s14+$0x10];
	(pc) =	sbr.rel @p0 .LBB2_3-.Ltmp0, $4  }
0x40: {  	s22 =	simm.s32 $0x0;
	v7 =	vld [tilespmem:s23+$0x10];
	[tilespmem:s23+$0x30] =	vst v10  }
0x41: {  	v10 =	vadd.f32 v6, v11;
	v11 =	vmul.f32 v8, v0;
	v12 =	vsub.f32 v5, v2;
	v5 =	vld [tilespmem:s14+$0x20]  }
0x42: {  	v8 =	vld [tilespmem:s23+$0x20]  }
0x43: {  	v6 =	vld [tilespmem:s14+$0xFFFFFFC0];
	[tilespmem:s23+$0xFFFFFFD0] =	vst v10;
	v9 =	vadd.f32 v11, v9;
	v10 =	vmul.f32 v12, v0;
	v11 =	vsub.f32 v13, v3;
	s14 =	sadd.s32 $0x80, s14  }
0x44: {  	_ =	sdelay $0x1  }
0x45: {  	v7 =	vsub.f32 v7, v4  }
0x46: {  	v11 =	vmul.f32 v11, v0;
	v8 =	vsub.f32 v8, v5  }
0x47: {  	v2 =	vadd.f32 v10, v2;
	v7 =	vmul.f32 v7, v0;
	v1 =	vsub.f32 v1, v6  }
0x48: {  	[tilespmem:s0+$0xFFFFFFE0] =	vst v9;
	v3 =	vadd.f32 v11, v3;
	v8 =	vmul.f32 v8, v0  }
0x49: {  	[tilespmem:s0+$0xFFFFFFF0] =	vst v2;
	v61 =	vadd.f32 v7, v4;
	v62 =	vmul.f32 v1, v0  }
0x4a: {  	[tilespmem:s0+$0x0] =	vst v3;
	v63 =	vadd.f32 v8, v5  }
0x4b: {  	[tilespmem:s0+$0x10] =	vst v61;
	v0 =	vadd.f32 v62, v6  }
0x4c: {  	[tilespmem:s0+$0x20] =	vst v63  }
0x4d: {  	s23 =	smov.u32 s13;
	[tilespmem:s0+$0xFFFFFFC0] =	vst v0  }
.LBB2_5:
0x4e: {  	s1 =	sadd.s32 s4, s22  }
0x4f: {  	s0 =	simm.s32 $0x1;
	s24 =	simm.s32 $0xFFFFFFFF;
	p0 =	seq.s32 s1, $0x2  }
0x50: {  	s25 =	simm.s32 $0xFFFFFFFF;
	s0 =	simm.s32 @!p0 $0x0;
	p0 =	seq.s32 s1, $0x5D  }
0x51: {  	s14 =	simm.s32 $0x1;
	p1 =	seq.s32 s1, $0x5B;
	s24 =	simm.s32 @!p0 $0x0  }
0x52: {  	p2 =	seq.s32 s1, $0x4;
	s25 =	simm.s32 @!p1 $0x0;
	s26 =	smul.u32 $0xC00, s24  }
0x53: {  	s14 =	simm.s32 @!p2 $0x0;
	p2 =	seq.s32 s1, $0x0;
	s25 =	smul.u32 $0xC00, s25  }
0x54: {  	s28 =	smul.u32 $0xC00, s0;
	s24 =	simm.s32 $0x1;
	s26 =	sadd.s32 s26, s23  }
0x55: {  	s31 =	smul.u32 $0xC00, s14;
	s24 =	simm.s32 @!p2 $0x0;
	s25 =	sadd.s32 s25, s26  }
0x56: {  	s25 =	sadd.s32 s28, s25;
	s28 =	smul.u32 $0xC00, s24  }
0x57: {  	s25 =	sadd.s32 s31, s25  }
0x58: {  	s25 =	sadd.s32 s28, s25  }
0x59: {  	[dreg:$0x3] =	wrdreg s25  }
0x5a: {  	s25 =	rddreg [dreg:$0x3]  }
0x5b: {  	s25 =	sadd.s32 $0xC00, s25  }
0x5c: {  	s5 =	simm.s32 $0x0;
	s28 =	sadd.s32 $0xFFFFF400, s25;
	s25 =	sand.u32 $0xFFFFFF80, s25  }
0x5d: {  	s29 =	sand.u32 $0x40, s5;
	s28 =	sand.u32 $0xFFFFFF80, s28;
	s25 =	sadd.s32 $0x9C00, s25  }
0x5e: {  	s28 =	sadd.s32 $0x9C00, s28;
	s30 =	sor.u32 s29, s25  }
0x5f: {  	s31 =	sor.u32 s29, s28;
	v1 =	vld [tilespmem:s30+$0x0]  }
0x60: {  	s30 =	sshll.u32 s1, $0x4;
	v2 =	vld [tilespmem:s31+$0x0]  }
0x61: {  	s30 =	sand.u32 $0xFF0, s30  }
0x62: {  	v0 =	vld [tilespmem:s30+$0x1CA00];
	_ =	sdelay $0x2  }
0x63: {  	v1 =	vsub.f32 v1, v2;
	_ =	sdelay $0x1  }
0x64: {  	s26 =	sand.u32 $0xFC0, s5;
	v1 =	vmul.f32 v1, v0  }
0x65: {  	v3 =	vld [tilespmem:s26+$0x1D000]  }
0x66: {  	v2 =	vadd.f32 v1, v2  }
0x67: {  	v1 =	vimm.f32 $0.0e+00  }
0x68: {  	v4 =	vsub.f32 v2, v1;
	_ =	sdelay $0x1  }
0x69: {  	s9 =	sadd.s32 $0xC00, s21;
	v3 =	vmul.f32 v4, v3  }
0x6a: {  	s26 =	sand.u32 $0x1FF80, s9  }
0x6b: {  	s31 =	sadd.s32 $0x13800, s26;
	v3 =	vadd.f32 v3, v1  }
0x6c: {  	s26 =	sor.u32 s29, s31;
	s30 =	sor.u32 $0x10, s29  }
0x6d: {  	s12 =	sor.u32 s30, s28;
	[tilespmem:s26+$0x0] =	vst v3  }
0x6e: {  	s5 =	sor.u32 s30, s25;
	v3 =	vld [tilespmem:s12+$0x0]  }
0x6f: {  	v4 =	vld [tilespmem:s5+$0x0];
	_ =	sdelay $0x4  }
0x70: {  	v4 =	vsub.f32 v4, v3;
	_ =	sdelay $0x1  }
0x71: {  	s26 =	simm.s32 $0x1D030;
	v4 =	vmul.f32 v4, v0  }
0x72: {  	v5 =	vld [tilespmem:s26+$0xFFFFFFE0]  }
0x73: {  	v3 =	vadd.f32 v4, v3;
	_ =	sdelay $0x1  }
0x74: {  	v4 =	vsub.f32 v3, v1;
	_ =	sdelay $0x1  }
0x75: {  	v4 =	vmul.f32 v4, v5;
	_ =	sdelay $0x1  }
0x76: {  	v1 =	vadd.f32 v4, v1  }
0x77: {  	s9 =	sor.u32 s30, s31;
	s30 =	sor.u32 $0x20, s29  }
0x78: {  	s12 =	sor.u32 s30, s28;
	[tilespmem:s9+$0x0] =	vst v1  }
0x79: {  	s9 =	sor.u32 s30, s25;
	v1 =	vld [tilespmem:s12+$0x0]  }
0x7a: {  	v4 =	vld [tilespmem:s9+$0x0];
	_ =	sdelay $0x4  }
0x7b: {  	v4 =	vsub.f32 v4, v1;
	_ =	sdelay $0x1  }
0x7c: {  	v4 =	vmul.f32 v4, v0  }
0x7d: {  	v5 =	vld [tilespmem:s26+$0xFFFFFFF0]  }
0x7e: {  	v1 =	vadd.f32 v4, v1;
	_ =	sdelay $0x1  }
0x7f: {  	v4 =	vsub.f32 v1, v2;
	_ =	sdelay $0x1  }
0x80: {  	v4 =	vmul.f32 v4, v5;
	_ =	sdelay $0x1  }
0x81: {  	v2 =	vadd.f32 v4, v2  }
0x82: {  	s12 =	sor.u32 s30, s31;
	s9 =	sor.u32 $0x30, s29  }
0x83: {  	[tilespmem:s12+$0x0] =	vst v2;
	s12 =	sor.u32 s9, s28  }
0x84: {  	s25 =	sor.u32 s9, s25;
	v2 =	vld [tilespmem:s12+$0x0]  }
0x85: {  	v4 =	vld [tilespmem:s25+$0x0];
	_ =	sdelay $0x4  }
0x86: {  	s1 =	sadd.s32 s11, s1;
	v4 =	vsub.f32 v4, v2  }
0x87: {  	s1 =	sadd.s32 s24, s1  }
0x88: {  	s0 =	sadd.s32 s0, s1;
	s1 =	simm.s32 $0x1;
	v4 =	vmul.f32 v4, v0  }
0x89: {  	s0 =	sadd.s32 s14, s0;
	s1 =	simm.s32 @!p1 $0x0;
	s5 =	simm.s32 $0x1;
	v5 =	vld [tilespmem:s26+$0x0]  }
0x8a: {  	s0 =	ssub.s32 s0, s1;
	s5 =	simm.s32 @!p0 $0x0;
	v2 =	vadd.f32 v4, v2  }
0x8b: {  	s0 =	ssub.s32 s0, s5  }
0x8c: {  	s25 =	smul.u32 $0xC00, s0;
	v4 =	vsub.f32 v2, v3  }
0x8d: {  	s24 =	smul.u32 $0xC00, s22;
	s30 =	simm.s32 $0x4;
	s29 =	simm.s32 $0xC40  }
0x8e: {  	s14 =	sor.u32 s9, s31;
	s0 =	rddreg [dreg:$0x3];
	s28 =	sadd.s32 $0xC00, s25;
	v4 =	vmul.f32 v4, v5  }
.LBB2_6:
0x8f: {  	s0 =	sadd.s32 s29, s0  }
0x90: {  	s5 =	sadd.s32 $0xFFFFF400, s29;
	s1 =	sadd.s32 $0xFFFFF400, s0;
	s9 =	sand.u32 $0xFFFFFF80, s0;
	v3 =	vadd.f32 v4, v3  }
0x91: {  	s0 =	sand.u32 $0x40, s5;
	s1 =	sand.u32 $0xFFFFFF80, s1;
	s31 =	sadd.s32 $0x9C00, s9  }
0x92: {  	s1 =	sadd.s32 $0x9C00, s1;
	s9 =	sor.u32 s0, s31;
	[tilespmem:s14+$0x0] =	vst v3  }
0x93: {  	s12 =	sor.u32 s0, s1;
	v3 =	vld [tilespmem:s9+$0x0]  }
0x94: {  	v4 =	vld [tilespmem:s12+$0x0];
	_ =	sdelay $0x4  }
0x95: {  	v3 =	vsub.f32 v3, v4;
	_ =	sdelay $0x1  }
0x96: {  	s5 =	sand.u32 $0xFC0, s5;
	v3 =	vmul.f32 v3, v0  }
0x97: {  	v5 =	vld [tilespmem:s5+$0x1D000]  }
0x98: {  	v4 =	vadd.f32 v3, v4;
	_ =	sdelay $0x1  }
0x99: {  	v3 =	vsub.f32 v4, v1;
	_ =	sdelay $0x1  }
0x9a: {  	s9 =	sadd.s32 s29, s21;
	v3 =	vmul.f32 v3, v5  }
0x9b: {  	s5 =	sand.u32 $0x1FF80, s9  }
0x9c: {  	s14 =	sadd.s32 $0x13800, s5;
	v1 =	vadd.f32 v3, v1  }
0x9d: {  	s9 =	sor.u32 $0x10, s0;
	s5 =	sor.u32 s0, s14  }
0x9e: {  	[tilespmem:s5+$0x0] =	vst v1;
	s5 =	sor.u32 s9, s1  }
0x9f: {  	s12 =	sor.u32 s9, s31;
	v1 =	vld [tilespmem:s5+$0x0]  }
0xa0: {  	v3 =	vld [tilespmem:s12+$0x0];
	_ =	sdelay $0x4  }
0xa1: {  	v3 =	vsub.f32 v3, v1;
	_ =	sdelay $0x1  }
0xa2: {  	s26 =	sadd.s32 $0x40, s26;
	v3 =	vmul.f32 v3, v0  }
0xa3: {  	v5 =	vld [tilespmem:s26+$0xFFFFFFE0]  }
0xa4: {  	v3 =	vadd.f32 v3, v1;
	_ =	sdelay $0x1  }
0xa5: {  	v1 =	vsub.f32 v3, v2;
	_ =	sdelay $0x1  }
0xa6: {  	v1 =	vmul.f32 v1, v5;
	_ =	sdelay $0x1  }
0xa7: {  	v1 =	vadd.f32 v1, v2  }
0xa8: {  	s12 =	sor.u32 s9, s14;
	s9 =	sor.u32 $0x20, s0  }
0xa9: {  	s5 =	sor.u32 s9, s1;
	[tilespmem:s12+$0x0] =	vst v1  }
0xaa: {  	s12 =	sor.u32 s9, s31;
	v1 =	vld [tilespmem:s5+$0x0]  }
0xab: {  	v2 =	vld [tilespmem:s12+$0x0];
	_ =	sdelay $0x4  }
0xac: {  	v2 =	vsub.f32 v2, v1;
	_ =	sdelay $0x1  }
0xad: {  	v2 =	vmul.f32 v2, v0  }
0xae: {  	v5 =	vld [tilespmem:s26+$0xFFFFFFF0]  }
0xaf: {  	v1 =	vadd.f32 v2, v1;
	_ =	sdelay $0x1  }
0xb0: {  	v2 =	vsub.f32 v1, v4;
	_ =	sdelay $0x1  }
0xb1: {  	v2 =	vmul.f32 v2, v5;
	_ =	sdelay $0x1  }
0xb2: {  	v2 =	vadd.f32 v2, v4  }
0xb3: {  	s9 =	sor.u32 s9, s14;
	s12 =	sor.u32 $0x30, s0  }
0xb4: {  	s0 =	sor.u32 s12, s1;
	[tilespmem:s9+$0x0] =	vst v2  }
0xb5: {  	s31 =	sor.u32 s12, s31;
	v2 =	vld [tilespmem:s0+$0x0]  }
0xb6: {  	v4 =	vld [tilespmem:s31+$0x0];
	_ =	sdelay $0x4  }
0xb7: {  	v4 =	vsub.f32 v4, v2;
	_ =	sdelay $0x1  }
0xb8: {  	s30 =	sadd.s32 $0x4, s30;
	v4 =	vmul.f32 v4, v0  }
0xb9: {  	p0 =	slt.u32 s30, $0xBC;
	v5 =	vld [tilespmem:s26+$0x0]  }
.Ltmp1:
0xba: {  	v2 =	vadd.f32 v4, v2;
	(pc) =	sbr.rel @p0 .LBB2_6-.Ltmp1, $3  }
0xbb: {  	_ = 	snop  }
0xbc: {  	v4 =	vsub.f32 v2, v3;
	_ =	sdelay $0x1  }
0xbd: {  	s29 =	sadd.s32 $0x40, s29;
	s14 =	sor.u32 s12, s14;
	s0 =	rddreg [dreg:$0x3];
	v4 =	vmul.f32 v4, v5  }
0xbe: {  	s0 =	sadd.s32 s29, s0  }
0xbf: {  	s1 =	sadd.s32 $0xFFFFF400, s29;
	s5 =	sadd.s32 $0xFFFFF400, s0;
	s0 =	sand.u32 $0xFFFFFF80, s0;
	v3 =	vadd.f32 v4, v3  }
0xc0: {  	s9 =	sand.u32 $0x40, s1;
	s5 =	sand.u32 $0xFFFFFF80, s5;
	s0 =	sadd.s32 $0x9C00, s0  }
0xc1: {  	s5 =	sadd.s32 $0x9C00, s5;
	s12 =	sor.u32 s9, s0;
	[tilespmem:s14+$0x0] =	vst v3  }
0xc2: {  	s31 =	sor.u32 s9, s5;
	v3 =	vld [tilespmem:s12+$0x0]  }
0xc3: {  	v15 =	vld [tilespmem:s31+$0x0];
	_ =	sdelay $0x4  }
0xc4: {  	v3 =	vsub.f32 v3, v15;
	_ =	sdelay $0x1  }
0xc5: {  	s1 =	sand.u32 $0xFC0, s1;
	v3 =	vmul.f32 v3, v0  }
0xc6: {  	v5 =	vld [tilespmem:s1+$0x1D000]  }
0xc7: {  	v3 =	vadd.f32 v3, v15;
	_ =	sdelay $0x1  }
0xc8: {  	v4 =	vsub.f32 v3, v1;
	_ =	sdelay $0x1  }
0xc9: {  	s14 =	sadd.s32 s29, s21;
	v4 =	vmul.f32 v4, v5  }
0xca: {  	s1 =	sand.u32 $0x1FF80, s14  }
0xcb: {  	s1 =	sadd.s32 $0x13800, s1;
	v16 =	vadd.f32 v4, v1  }
0xcc: {  	s14 =	sor.u32 $0x10, s9;
	s29 =	sor.u32 s9, s1  }
0xcd: {  	s30 =	sor.u32 s14, s5;
	[tilespmem:s29+$0x0] =	vst v16  }
0xce: {  	s31 =	sor.u32 s14, s0;
	v1 =	vld [tilespmem:s30+$0x0]  }
0xcf: {  	v17 =	vld [tilespmem:s31+$0x0];
	_ =	sdelay $0x4  }
0xd0: {  	v4 =	vsub.f32 v17, v1;
	_ =	sdelay $0x1  }
0xd1: {  	s12 =	sadd.s32 $0x40, s26;
	v4 =	vmul.f32 v4, v0  }
0xd2: {  	v18 =	vld [tilespmem:s12+$0xFFFFFFE0]  }
0xd3: {  	v1 =	vadd.f32 v4, v1;
	_ =	sdelay $0x1  }
0xd4: {  	v4 =	vsub.f32 v1, v2;
	_ =	sdelay $0x1  }
0xd5: {  	v4 =	vmul.f32 v4, v18;
	_ =	sdelay $0x1  }
0xd6: {  	v19 =	vadd.f32 v4, v2  }
0xd7: {  	s26 =	sor.u32 $0x20, s9;
	s14 =	sor.u32 s14, s1  }
0xd8: {  	s30 =	sor.u32 s26, s5;
	[tilespmem:s14+$0x0] =	vst v19  }
0xd9: {  	s31 =	sor.u32 s26, s0;
	v2 =	vld [tilespmem:s30+$0x0]  }
0xda: {  	v20 =	vld [tilespmem:s31+$0x0];
	_ =	sdelay $0x4  }
0xdb: {  	v4 =	vsub.f32 v20, v2;
	_ =	sdelay $0x1  }
0xdc: {  	v4 =	vmul.f32 v4, v0  }
0xdd: {  	v21 =	vld [tilespmem:s12+$0xFFFFFFF0]  }
0xde: {  	v2 =	vadd.f32 v4, v2;
	_ =	sdelay $0x1  }
0xdf: {  	v2 =	vsub.f32 v2, v3;
	_ =	sdelay $0x1  }
0xe0: {  	v2 =	vmul.f32 v2, v21;
	_ =	sdelay $0x1  }
0xe1: {  	v2 =	vadd.f32 v2, v3  }
0xe2: {  	s9 =	sor.u32 $0x30, s9;
	s30 =	sor.u32 s26, s1  }
0xe3: {  	s5 =	sor.u32 s9, s5;
	[tilespmem:s30+$0x0] =	vst v2  }
0xe4: {  	s0 =	sor.u32 s9, s0;
	v2 =	vld [tilespmem:s5+$0x0]  }
0xe5: {  	v22 =	vld [tilespmem:s0+$0x0];
	_ =	sdelay $0x4  }
0xe6: {  	v3 =	vsub.f32 v22, v2;
	_ =	sdelay $0x1  }
0xe7: {  	v3 =	vmul.f32 v3, v0  }
0xe8: {  	v23 =	vld [tilespmem:s12+$0x0]  }
0xe9: {  	v2 =	vadd.f32 v3, v2;
	_ =	sdelay $0x1  }
0xea: {  	v2 =	vsub.f32 v2, v1;
	_ =	sdelay $0x1  }
0xeb: {  	v2 =	vmul.f32 v2, v23;
	_ =	sdelay $0x1  }
0xec: {  	v1 =	vadd.f32 v2, v1  }
0xed: {  	s31 =	sor.u32 s9, s1  }
0xee: {  	[tilespmem:s31+$0x0] =	vst v1  }
0xef: {  	v1 =	vld [tilespmem:s25+$0x9C00]  }
0xf0: {  	v24 =	vld [tilespmem:s28+$0x9C00]  }
0xf1: {  	v25 =	vld [tilespmem:s25+$0x9C20]  }
0xf2: {  	v26 =	vld [tilespmem:s25+$0xA820];
	_ =	sdelay $0x4  }
0xf3: {  	v2 =	vsub.f32 v24, v1;
	v4 =	vsub.f32 v26, v25;
	_ =	sdelay $0x1  }
0xf4: {  	v2 =	vmul.f32 v2, v0;
	v4 =	vmul.f32 v4, v0;
	_ =	sdelay $0x1  }
0xf5: {  	v1 =	vadd.f32 v2, v1;
	v27 =	vadd.f32 v4, v25;
	_ =	sdelay $0x1  }
0xf6: {  	v2 =	vsub.f32 v27, v1;
	_ =	sdelay $0x1  }
0xf7: {  	v2 =	vmul.f32 $0.0e+00, v2;
	_ =	sdelay $0x1  }
0xf8: {  	v1 =	vadd.f32 v2, v1;
	_ =	sdelay $0x1  }
0xf9: {  	[tilespmem:s24+$0x13800] =	vst v1  }
0xfa: {  	v1 =	vld [tilespmem:s25+$0x9C10]  }
0xfb: {  	v28 =	vld [tilespmem:s25+$0xA810]  }
0xfc: {  	v29 =	vld [tilespmem:s25+$0x9C30]  }
0xfd: {  	v30 =	vld [tilespmem:s25+$0xA830];
	_ =	sdelay $0x4  }
0xfe: {  	v2 =	vsub.f32 v28, v1;
	v4 =	vsub.f32 v30, v29;
	_ =	sdelay $0x1  }
0xff: {  	v2 =	vmul.f32 v2, v0;
	v4 =	vmul.f32 v4, v0;
	_ =	sdelay $0x1  }
0x100: {  	v1 =	vadd.f32 v2, v1;
	v31 =	vadd.f32 v4, v29;
	_ =	sdelay $0x1  }
0x101: {  	v2 =	vsub.f32 v31, v1;
	_ =	sdelay $0x1  }
0x102: {  	v2 =	vmul.f32 $0.0e+00, v2;
	_ =	sdelay $0x1  }
0x103: {  	v1 =	vadd.f32 v2, v1;
	_ =	sdelay $0x1  }
0x104: {  	[tilespmem:s24+$0x13810] =	vst v1  }
0x105: {  	v1 =	vld [tilespmem:s25+$0x9C40]  }
0x106: {  	v32 =	vld [tilespmem:s25+$0xA840]  }
0x107: {  	v33 =	vld [tilespmem:s25+$0x9C60]  }
0x108: {  	v34 =	vld [tilespmem:s25+$0xA860];
	_ =	sdelay $0x4  }
0x109: {  	v2 =	vsub.f32 v32, v1;
	v4 =	vsub.f32 v34, v33;
	_ =	sdelay $0x1  }
0x10a: {  	v2 =	vmul.f32 v2, v0;
	v4 =	vmul.f32 v4, v0;
	_ =	sdelay $0x1  }
0x10b: {  	v1 =	vadd.f32 v2, v1;
	v35 =	vadd.f32 v4, v33;
	_ =	sdelay $0x1  }
0x10c: {  	v2 =	vsub.f32 v35, v1;
	_ =	sdelay $0x1  }
0x10d: {  	v2 =	vmul.f32 $1.953125000e-02, v2;
	_ =	sdelay $0x1  }
0x10e: {  	v1 =	vadd.f32 v2, v1;
	_ =	sdelay $0x1  }
0x10f: {  	[tilespmem:s24+$0x13840] =	vst v1  }
0x110: {  	v1 =	vld [tilespmem:s25+$0x9C50]  }
0x111: {  	v36 =	vld [tilespmem:s25+$0xA850]  }
0x112: {  	v37 =	vld [tilespmem:s25+$0x9C70]  }
0x113: {  	v38 =	vld [tilespmem:s25+$0xA870];
	_ =	sdelay $0x4  }
0x114: {  	v2 =	vsub.f32 v36, v1;
	v4 =	vsub.f32 v38, v37;
	_ =	sdelay $0x1  }
0x115: {  	v2 =	vmul.f32 v2, v0;
	v4 =	vmul.f32 v4, v0;
	_ =	sdelay $0x1  }
0x116: {  	v1 =	vadd.f32 v2, v1;
	v39 =	vadd.f32 v4, v37;
	_ =	sdelay $0x1  }
0x117: {  	v2 =	vsub.f32 v39, v1;
	_ =	sdelay $0x1  }
0x118: {  	v2 =	vmul.f32 $1.953125000e-02, v2;
	_ =	sdelay $0x1  }
0x119: {  	v1 =	vadd.f32 v2, v1;
	_ =	sdelay $0x1  }
0x11a: {  	[tilespmem:s24+$0x13850] =	vst v1  }
0x11b: {  	v1 =	vld [tilespmem:s25+$0x9C80]  }
0x11c: {  	v40 =	vld [tilespmem:s25+$0xA880]  }
0x11d: {  	v41 =	vld [tilespmem:s25+$0x9CA0]  }
0x11e: {  	v42 =	vld [tilespmem:s25+$0xA8A0];
	_ =	sdelay $0x4  }
0x11f: {  	v2 =	vsub.f32 v40, v1;
	v4 =	vsub.f32 v42, v41;
	_ =	sdelay $0x1  }
0x120: {  	v2 =	vmul.f32 v2, v0;
	v4 =	vmul.f32 v4, v0;
	_ =	sdelay $0x1  }
0x121: {  	v1 =	vadd.f32 v2, v1;
	v43 =	vadd.f32 v4, v41;
	_ =	sdelay $0x1  }
0x122: {  	v2 =	vsub.f32 v43, v1;
	_ =	sdelay $0x1  }
0x123: {  	v2 =	vmul.f32 $3.906250000e-02, v2;
	_ =	sdelay $0x1  }
0x124: {  	v1 =	vadd.f32 v2, v1;
	_ =	sdelay $0x1  }
0x125: {  	[tilespmem:s24+$0x13880] =	vst v1  }
0x126: {  	v1 =	vld [tilespmem:s25+$0x9C90]  }
0x127: {  	v44 =	vld [tilespmem:s25+$0xA890]  }
0x128: {  	v45 =	vld [tilespmem:s25+$0x9CB0]  }
0x129: {  	v46 =	vld [tilespmem:s25+$0xA8B0];
	_ =	sdelay $0x4  }
0x12a: {  	v2 =	vsub.f32 v44, v1;
	v4 =	vsub.f32 v46, v45;
	_ =	sdelay $0x1  }
0x12b: {  	v2 =	vmul.f32 v2, v0;
	v4 =	vmul.f32 v4, v0;
	_ =	sdelay $0x1  }
0x12c: {  	v1 =	vadd.f32 v2, v1;
	v47 =	vadd.f32 v4, v45;
	_ =	sdelay $0x1  }
0x12d: {  	v2 =	vsub.f32 v47, v1;
	_ =	sdelay $0x1  }
0x12e: {  	v2 =	vmul.f32 $3.906250000e-02, v2;
	_ =	sdelay $0x1  }
0x12f: {  	v1 =	vadd.f32 v2, v1;
	_ =	sdelay $0x1  }
0x130: {  	[tilespmem:s24+$0x13890] =	vst v1  }
0x131: {  	v1 =	vld [tilespmem:s25+$0xA720]  }
0x132: {  	v48 =	vld [tilespmem:s25+$0xB320]  }
0x133: {  	v49 =	vld [tilespmem:s25+$0xA740]  }
0x134: {  	v50 =	vld [tilespmem:s25+$0xB340];
	_ =	sdelay $0x4  }
0x135: {  	v2 =	vsub.f32 v48, v1;
	v4 =	vsub.f32 v50, v49;
	_ =	sdelay $0x1  }
0x136: {  	v2 =	vmul.f32 v2, v0;
	v4 =	vmul.f32 v4, v0;
	_ =	sdelay $0x1  }
0x137: {  	v1 =	vadd.f32 v2, v1;
	v51 =	vadd.f32 v4, v49;
	_ =	sdelay $0x1  }
0x138: {  	v2 =	vsub.f32 v51, v1;
	_ =	sdelay $0x1  }
0x139: {  	v2 =	vmul.f32 $9.609375000e-01, v2;
	_ =	sdelay $0x1  }
0x13a: {  	v1 =	vadd.f32 v2, v1;
	_ =	sdelay $0x1  }
0x13b: {  	[tilespmem:s24+$0x14360] =	vst v1  }
0x13c: {  	v1 =	vld [tilespmem:s25+$0xA730]  }
0x13d: {  	v52 =	vld [tilespmem:s25+$0xB330]  }
0x13e: {  	v53 =	vld [tilespmem:s25+$0xA750]  }
0x13f: {  	v54 =	vld [tilespmem:s25+$0xB350];
	_ =	sdelay $0x4  }
0x140: {  	v2 =	vsub.f32 v52, v1;
	v4 =	vsub.f32 v54, v53;
	_ =	sdelay $0x1  }
0x141: {  	v2 =	vmul.f32 v2, v0;
	v4 =	vmul.f32 v4, v0;
	_ =	sdelay $0x1  }
0x142: {  	v1 =	vadd.f32 v2, v1;
	v55 =	vadd.f32 v4, v53;
	_ =	sdelay $0x1  }
0x143: {  	v2 =	vsub.f32 v55, v1;
	_ =	sdelay $0x1  }
0x144: {  	v2 =	vmul.f32 $9.609375000e-01, v2;
	_ =	sdelay $0x1  }
0x145: {  	v1 =	vadd.f32 v2, v1;
	_ =	sdelay $0x1  }
0x146: {  	[tilespmem:s24+$0x14370] =	vst v1  }
0x147: {  	v1 =	vld [tilespmem:s25+$0xA760]  }
0x148: {  	v56 =	vld [tilespmem:s25+$0xB360]  }
0x149: {  	v57 =	vld [tilespmem:s25+$0xA780]  }
0x14a: {  	v58 =	vld [tilespmem:s25+$0xB380];
	_ =	sdelay $0x4  }
0x14b: {  	v2 =	vsub.f32 v56, v1;
	v4 =	vsub.f32 v58, v57;
	_ =	sdelay $0x1  }
0x14c: {  	v2 =	vmul.f32 v2, v0;
	v4 =	vmul.f32 v4, v0;
	_ =	sdelay $0x1  }
0x14d: {  	v1 =	vadd.f32 v2, v1;
	v59 =	vadd.f32 v4, v57;
	_ =	sdelay $0x1  }
0x14e: {  	v2 =	vsub.f32 v59, v1;
	_ =	sdelay $0x1  }
0x14f: {  	v2 =	vmul.f32 $9.804687500e-01, v2;
	_ =	sdelay $0x1  }
0x150: {  	v1 =	vadd.f32 v2, v1;
	_ =	sdelay $0x1  }
0x151: {  	[tilespmem:s24+$0x143A0] =	vst v1  }
0x152: {  	v1 =	vld [tilespmem:s25+$0xA770]  }
0x153: {  	v60 =	vld [tilespmem:s25+$0xB370]  }
0x154: {  	v61 =	vld [tilespmem:s25+$0xA790]  }
0x155: {  	v62 =	vld [tilespmem:s25+$0xB390];
	_ =	sdelay $0x4  }
0x156: {  	v2 =	vsub.f32 v60, v1;
	v4 =	vsub.f32 v62, v61;
	_ =	sdelay $0x1  }
0x157: {  	v2 =	vmul.f32 v2, v0;
	v63 =	vmul.f32 v4, v0;
	_ =	sdelay $0x1  }
0x158: {  	v1 =	vadd.f32 v2, v1;
	v0 =	vadd.f32 v63, v61;
	_ =	sdelay $0x1  }
0x159: {  	s22 =	sadd.s32 $0x1, s22;
	v0 =	vsub.f32 v0, v1  }
0x15a: {  	p0 =	sne.s32 s22, $0xC  }
.Ltmp2:
0x15b: {  	v0 =	vmul.f32 $9.804687500e-01, v0;
	(pc) =	sbr.rel @p0 .LBB2_5-.Ltmp2, $3  }
0x15c: {  	_ = 	snop  }
0x15d: {  	v0 =	vadd.f32 v0, v1;
	_ =	sdelay $0x1  }
0x15e: {  	s23 =	sadd.s32 $0xC00, s23;
	s21 =	sadd.s32 $0xC00, s21;
	[tilespmem:s24+$0x143B0] =	vst v0  }
0x15f: {  	s0 =	sadd.s32 s4, s20  }
0x160: {  	s1 =	sor.u32 $0x1, s19;
	s0 =	smul.u32 $0x180, s0  }
0x161: {  	s5 =	sor.u32 s10, s1  }
0x162: {  	s19 =	smul.u32 $0x60, s5;
	s0 =	sadd.s32 s6, s0  }
0x163: {  	[hbm4b:s0+s3] =	stream.linear.scatter [tilespmem:s16], [sflag:$0x1], $0x9000, $0x38;
	[tilespmem:$0x1DC00] =	vst v63  }
0x164: {  	s29 =	sadd.s32 s7, s19  }
0x165: {  	_ =	swait.ge [sflag:s8], $0x9000;
	s0 =	smul.u32 $0x180, s29  }
0x166: {  	[sflag:s8] =	ssyncset.done $0x0  }
0x167: {  	[sflag:s8] =	ssyncadd.s32 $0xFFFF7000;
	s0 =	sadd.s32 s2, s0  }
0x168: {  	[tilespmem:s15], [sflag:$0x1] =	stream.linear.gather [hbm4b:s0+s3], $0x9C00, $0x38;
	[tilespmem:$0x1DC00] =	vst v63  }
0x169: {  	_ =	swait.ge [sflag:s8], $0x9C00  }
0x16a: {  	s30 =	sshll.u32 s1, $0x4;
	[sflag:s8] =	ssyncset.done $0x0  }
0x16b: {  	s0 =	sand.u32 $0x3FFFFFF0, s30;
	[sflag:s8] =	ssyncadd.s32 $0xFFFF6400  }
0x16c: {  	s31 =	simm.s32 $0x9C40;
	v0 =	vld [tilespmem:s0+$0x1C800]  }
0x16d: {  	s22 =	simm.s32 $0x40;
	v5 =	vld [tilespmem:s31+$0x30]  }
0x16e: {  	v3 =	vld [tilespmem:s22+$0x30]  }
0x16f: {  	v1 =	vld [tilespmem:s22+$0xFFFFFFC0]  }
0x170: {  	v6 =	vld [tilespmem:s31+$0xFFFFFFD0]  }
0x171: {  	v4 =	vld [tilespmem:s22+$0xFFFFFFD0]  }
0x172: {  	v9 =	vld [tilespmem:s31+$0xFFFFFFE0]  }
0x173: {  	v7 =	vld [tilespmem:s22+$0xFFFFFFE0]  }
0x174: {  	v2 =	vld [tilespmem:s31+$0xFFFFFFF0]  }
0x175: {  	v10 =	vld [tilespmem:s22+$0xFFFFFFF0];
	v8 =	vsub.f32 v3, v5  }
0x176: {  	v11 =	vld [tilespmem:s22+$0x0];
	v4 =	vsub.f32 v4, v6  }
0x177: {  	v3 =	vld [tilespmem:s31+$0x0];
	v8 =	vmul.f32 v8, v0  }
0x178: {  	v13 =	vsub.f32 v7, v9;
	v7 =	vld [tilespmem:s22+$0x10];
	v12 =	vmul.f32 v4, v0  }
0x179: {  	v4 =	vld [tilespmem:s31+$0x10];
	v8 =	vadd.f32 v8, v5  }
0x17a: {  	v10 =	vsub.f32 v10, v2;
	v13 =	vmul.f32 v13, v0;
	v12 =	vadd.f32 v12, v6;
	v5 =	vld [tilespmem:s31+$0x20]  }
0x17b: {  	[tilespmem:s22+$0x30] =	vst v8;
	v8 =	vld [tilespmem:s22+$0x20]  }
0x17c: {  	s14 =	simm.s32 $0x9CC0;
	s1 =	simm.s32 $0x0;
	s0 =	simm.s32 $0x40;
	v10 =	vmul.f32 v10, v0;
	v6 =	vld [tilespmem:s31+$0xFFFFFFC0];
	v9 =	vadd.f32 v13, v9;
	v11 =	vsub.f32 v11, v3;
	[tilespmem:s22+$0xFFFFFFD0] =	vst v12  }
.LBB2_9:
0x17d: {  	v12 =	vld [tilespmem:s14+$0x30];
	s22 =	sadd.s32 $0x80, s22  }
0x17e: {  	s1 =	sadd.s32 $0x8, s1;
	v13 =	vld [tilespmem:s22+$0x30];
	[tilespmem:s0+$0xFFFFFFE0] =	vst v9;
	v2 =	vadd.f32 v10, v2;
	v9 =	vmul.f32 v11, v0;
	v7 =	vsub.f32 v7, v4  }
0x17f: {  	p0 =	slt.u32 s1, $0x9B8;
	v10 =	vld [tilespmem:s22+$0xFFFFFFC0]  }
0x180: {  	v11 =	vld [tilespmem:s14+$0xFFFFFFD0];
	[tilespmem:s0+$0xFFFFFFF0] =	vst v2;
	v2 =	vadd.f32 v9, v3;
	v3 =	vmul.f32 v7, v0;
	v7 =	vsub.f32 v8, v5  }
0x181: {  	v8 =	vld [tilespmem:s22+$0xFFFFFFD0];
	v15 =	vsub.f32 v1, v6  }
0x182: {  	v9 =	vld [tilespmem:s14+$0xFFFFFFE0];
	[tilespmem:s0+$0x0] =	vst v2;
	v3 =	vadd.f32 v3, v4;
	v4 =	vmul.f32 v7, v0  }
0x183: {  	v7 =	vld [tilespmem:s22+$0xFFFFFFE0];
	v13 =	vsub.f32 v13, v12;
	v14 =	vmul.f32 v15, v0  }
0x184: {  	v2 =	vld [tilespmem:s14+$0xFFFFFFF0];
	[tilespmem:s0+$0x10] =	vst v3;
	v4 =	vadd.f32 v4, v5;
	v1 =	vmov v10  }
0x185: {  	v5 =	vld [tilespmem:s22+$0xFFFFFFF0];
	v10 =	vmul.f32 v13, v0;
	v6 =	vadd.f32 v14, v6  }
0x186: {  	v8 =	vsub.f32 v8, v11;
	v3 =	vld [tilespmem:s14+$0x0];
	[tilespmem:s0+$0x20] =	vst v4  }
0x187: {  	v13 =	vld [tilespmem:s22+$0x0];
	v10 =	vadd.f32 v10, v12;
	[tilespmem:s0+$0xFFFFFFC0] =	vst v6;
	s0 =	smov.u32 s22  }
.Ltmp3:
0x188: {  	v6 =	vmul.f32 v8, v0;
	v8 =	vsub.f32 v7, v9;
	v4 =	vld [tilespmem:s14+$0x10];
	(pc) =	sbr.rel @p0 .LBB2_9-.Ltmp3, $4  }
0x189: {  	s20 =	simm.s32 $0x0;
	s21 =	simm.s32 $0xFFFFF400;
	v7 =	vld [tilespmem:s22+$0x10];
	[tilespmem:s22+$0x30] =	vst v10  }
0x18a: {  	v10 =	vadd.f32 v6, v11;
	v11 =	vmul.f32 v8, v0;
	v12 =	vsub.f32 v5, v2;
	v5 =	vld [tilespmem:s14+$0x20]  }
0x18b: {  	v8 =	vld [tilespmem:s22+$0x20]  }
0x18c: {  	v6 =	vld [tilespmem:s14+$0xFFFFFFC0];
	[tilespmem:s22+$0xFFFFFFD0] =	vst v10;
	v9 =	vadd.f32 v11, v9;
	v10 =	vmul.f32 v12, v0;
	v11 =	vsub.f32 v13, v3;
	s14 =	sadd.s32 $0x80, s14  }
0x18d: {  	_ =	sdelay $0x1  }
0x18e: {  	v7 =	vsub.f32 v7, v4  }
0x18f: {  	v11 =	vmul.f32 v11, v0;
	v8 =	vsub.f32 v8, v5  }
0x190: {  	v2 =	vadd.f32 v10, v2;
	v7 =	vmul.f32 v7, v0;
	v1 =	vsub.f32 v1, v6  }
0x191: {  	[tilespmem:s0+$0xFFFFFFE0] =	vst v9;
	v3 =	vadd.f32 v11, v3;
	v8 =	vmul.f32 v8, v0  }
0x192: {  	[tilespmem:s0+$0xFFFFFFF0] =	vst v2;
	v61 =	vadd.f32 v7, v4;
	v62 =	vmul.f32 v1, v0  }
0x193: {  	[tilespmem:s0+$0x0] =	vst v3;
	v63 =	vadd.f32 v8, v5  }
0x194: {  	[tilespmem:s0+$0x10] =	vst v61;
	v0 =	vadd.f32 v62, v6  }
0x195: {  	[tilespmem:s0+$0x20] =	vst v63  }
0x196: {  	s22 =	smov.u32 s13;
	[tilespmem:s0+$0xFFFFFFC0] =	vst v0  }
.LBB2_11:
0x197: {  	s1 =	sadd.s32 s4, s20  }
0x198: {  	s0 =	simm.s32 $0x1;
	s5 =	simm.s32 $0xFFFFFFFF;
	p0 =	seq.s32 s1, $0x2  }
0x199: {  	s9 =	simm.s32 $0xFFFFFFFF;
	s0 =	simm.s32 @!p0 $0x0;
	p0 =	seq.s32 s1, $0x5D  }
0x19a: {  	s14 =	simm.s32 $0x1;
	p1 =	seq.s32 s1, $0x5B;
	s5 =	simm.s32 @!p0 $0x0  }
0x19b: {  	p2 =	seq.s32 s1, $0x4;
	s9 =	simm.s32 @!p1 $0x0;
	s5 =	smul.u32 $0xC00, s5  }
0x19c: {  	s23 =	simm.s32 $0x1;
	s14 =	simm.s32 @!p2 $0x0;
	s9 =	smul.u32 $0xC00, s9  }
0x19d: {  	p2 =	seq.s32 s1, $0x0;
	s12 =	smul.u32 $0xC00, s0;
	s5 =	sadd.s32 s5, s22  }
0x19e: {  	s23 =	simm.s32 @!p2 $0x0;
	s24 =	smul.u32 $0xC00, s14;
	s5 =	sadd.s32 s9, s5  }
0x19f: {  	s25 =	smul.u32 $0xC00, s23;
	s5 =	sadd.s32 s12, s5  }
0x1a0: {  	s5 =	sadd.s32 s24, s5  }
0x1a1: {  	s25 =	sadd.s32 s25, s5  }
0x1a2: {  	s5 =	simm.s32 $0x0;
	s26 =	sadd.s32 $0xC00, s25  }
0x1a3: {  	s24 =	sand.u32 $0x40, s5;
	s30 =	sadd.s32 $0xFFFFF400, s26;
	s9 =	sand.u32 $0xFFFFFF80, s26  }
0x1a4: {  	s12 =	sand.u32 $0xFFFFFF80, s30;
	s26 =	sor.u32 s24, s9  }
0x1a5: {  	s28 =	sor.u32 s24, s12;
	v1 =	vld [tilespmem:s26+$0x0]  }
0x1a6: {  	s31 =	sshll.u32 s1, $0x4;
	v2 =	vld [tilespmem:s28+$0x0]  }
0x1a7: {  	s26 =	sand.u32 $0xFF0, s31  }
0x1a8: {  	v0 =	vld [tilespmem:s26+$0x1CA00];
	_ =	sdelay $0x2  }
0x1a9: {  	v1 =	vsub.f32 v1, v2;
	_ =	sdelay $0x1  }
0x1aa: {  	s5 =	sand.u32 $0xFC0, s5;
	v1 =	vmul.f32 v1, v0  }
0x1ab: {  	v3 =	vld [tilespmem:s5+$0x1D000]  }
0x1ac: {  	v4 =	vadd.f32 v1, v2  }
0x1ad: {  	v2 =	vimm.f32 $0.0e+00  }
0x1ae: {  	v1 =	vsub.f32 v4, v2;
	_ =	sdelay $0x1  }
0x1af: {  	s30 =	sadd.s32 $0xC00, s21;
	v1 =	vmul.f32 v1, v3  }
0x1b0: {  	s5 =	sand.u32 $0x1FF80, s30  }
0x1b1: {  	s5 =	sadd.s32 $0x13800, s5;
	v1 =	vadd.f32 v1, v2  }
0x1b2: {  	s28 =	sor.u32 $0x10, s24;
	s31 =	sor.u32 s24, s5  }
0x1b3: {  	s29 =	sor.u32 s28, s12;
	[tilespmem:s31+$0x0] =	vst v1  }
0x1b4: {  	s30 =	sor.u32 s28, s9;
	v1 =	vld [tilespmem:s29+$0x0]  }
0x1b5: {  	v3 =	vld [tilespmem:s30+$0x0];
	_ =	sdelay $0x4  }
0x1b6: {  	v3 =	vsub.f32 v3, v1;
	_ =	sdelay $0x1  }
0x1b7: {  	s26 =	simm.s32 $0x1D030;
	v3 =	vmul.f32 v3, v0  }
0x1b8: {  	v5 =	vld [tilespmem:s26+$0xFFFFFFE0]  }
0x1b9: {  	v1 =	vadd.f32 v3, v1;
	_ =	sdelay $0x1  }
0x1ba: {  	v3 =	vsub.f32 v1, v2;
	_ =	sdelay $0x1  }
0x1bb: {  	v3 =	vmul.f32 v3, v5;
	_ =	sdelay $0x1  }
0x1bc: {  	v2 =	vadd.f32 v3, v2  }
0x1bd: {  	s28 =	sor.u32 s28, s5;
	s29 =	sor.u32 $0x20, s24  }
0x1be: {  	[tilespmem:s28+$0x0] =	vst v2;
	s28 =	sor.u32 s29, s12  }
0x1bf: {  	s30 =	sor.u32 s29, s9;
	v2 =	vld [tilespmem:s28+$0x0]  }
0x1c0: {  	v3 =	vld [tilespmem:s30+$0x0];
	_ =	sdelay $0x4  }
0x1c1: {  	v3 =	vsub.f32 v3, v2;
	_ =	sdelay $0x1  }
0x1c2: {  	v3 =	vmul.f32 v3, v0  }
0x1c3: {  	v5 =	vld [tilespmem:s26+$0xFFFFFFF0]  }
0x1c4: {  	v2 =	vadd.f32 v3, v2;
	_ =	sdelay $0x1  }
0x1c5: {  	v3 =	vsub.f32 v2, v4;
	_ =	sdelay $0x1  }
0x1c6: {  	v3 =	vmul.f32 v3, v5;
	_ =	sdelay $0x1  }
0x1c7: {  	v3 =	vadd.f32 v3, v4  }
0x1c8: {  	s31 =	sor.u32 $0x30, s24;
	s28 =	sor.u32 s29, s5  }
0x1c9: {  	s12 =	sor.u32 s31, s12;
	[tilespmem:s28+$0x0] =	vst v3  }
0x1ca: {  	s9 =	sor.u32 s31, s9;
	v3 =	vld [tilespmem:s12+$0x0]  }
0x1cb: {  	v4 =	vld [tilespmem:s9+$0x0];
	_ =	sdelay $0x4  }
0x1cc: {  	v4 =	vsub.f32 v4, v3;
	_ =	sdelay $0x1  }
0x1cd: {  	s1 =	sadd.s32 s11, s1;
	v4 =	vmul.f32 v4, v0  }
0x1ce: {  	s1 =	sadd.s32 s23, s1;
	v5 =	vld [tilespmem:s26+$0x0]  }
0x1cf: {  	s0 =	sadd.s32 s0, s1;
	s1 =	simm.s32 $0x1;
	v3 =	vadd.f32 v4, v3  }
0x1d0: {  	s0 =	sadd.s32 s14, s0;
	s1 =	simm.s32 @!p1 $0x0;
	s9 =	simm.s32 $0x1  }
0x1d1: {  	s0 =	ssub.s32 s0, s1;
	s9 =	simm.s32 @!p0 $0x0;
	v4 =	vsub.f32 v3, v1  }
0x1d2: {  	s23 =	smul.u32 $0xC00, s20;
	s14 =	sor.u32 s31, s5;
	s0 =	ssub.s32 s0, s9  }
0x1d3: {  	s29 =	simm.s32 $0x0;
	s28 =	simm.s32 $0xC00;
	s24 =	smul.u32 $0xC00, s0;
	v4 =	vmul.f32 v4, v5  }
.LBB2_12:
0x1d4: {  	s29 =	sadd.s32 $0x4, s29;
	s28 =	sadd.s32 $0x40, s28;
	s26 =	sadd.s32 $0x40, s26  }
0x1d5: {  	s5 =	sadd.s32 $0xFFFFF400, s28;
	s0 =	sadd.s32 s28, s25;
	p0 =	slt.u32 s29, $0xBC;
	v1 =	vadd.f32 v4, v1  }
0x1d6: {  	s9 =	sadd.s32 $0xFFFFF400, s0;
	s1 =	sand.u32 $0x40, s5;
	s30 =	sand.u32 $0xFFFFFF80, s0  }
0x1d7: {  	s0 =	sand.u32 $0xFFFFFF80, s9;
	s9 =	sor.u32 s1, s30;
	s12 =	sor.u32 $0x10, s1;
	[tilespmem:s14+$0x0] =	vst v1  }
0x1d8: {  	s14 =	sor.u32 s1, s0;
	v1 =	vld [tilespmem:s9+$0x0];
	s9 =	sor.u32 s12, s0;
	s31 =	sor.u32 s12, s30  }
0x1d9: {  	v4 =	vld [tilespmem:s14+$0x0];
	_ =	sdelay $0x4  }
0x1da: {  	v1 =	vsub.f32 v1, v4;
	_ =	sdelay $0x1  }
0x1db: {  	s5 =	sand.u32 $0xFC0, s5;
	v1 =	vmul.f32 v1, v0  }
0x1dc: {  	v5 =	vld [tilespmem:s5+$0x1D000]  }
0x1dd: {  	v4 =	vadd.f32 v1, v4;
	_ =	sdelay $0x1  }
0x1de: {  	v1 =	vsub.f32 v4, v2;
	_ =	sdelay $0x1  }
0x1df: {  	s5 =	sadd.s32 s28, s21;
	v1 =	vmul.f32 v1, v5  }
0x1e0: {  	s5 =	sand.u32 $0x1FF80, s5  }
0x1e1: {  	s14 =	sadd.s32 $0x13800, s5;
	v1 =	vadd.f32 v1, v2  }
0x1e2: {  	s5 =	sor.u32 s1, s14;
	s12 =	sor.u32 s12, s14  }
0x1e3: {  	[tilespmem:s5+$0x0] =	vst v1  }
0x1e4: {  	v1 =	vld [tilespmem:s9+$0x0]  }
0x1e5: {  	v2 =	vld [tilespmem:s31+$0x0];
	_ =	sdelay $0x4  }
0x1e6: {  	v2 =	vsub.f32 v2, v1;
	_ =	sdelay $0x1  }
0x1e7: {  	v2 =	vmul.f32 v2, v0;
	v5 =	vld [tilespmem:s26+$0xFFFFFFE0];
	_ =	sdelay $0x1  }
0x1e8: {  	v1 =	vadd.f32 v2, v1;
	_ =	sdelay $0x1  }
0x1e9: {  	v2 =	vsub.f32 v1, v3;
	_ =	sdelay $0x1  }
0x1ea: {  	v2 =	vmul.f32 v2, v5;
	_ =	sdelay $0x1  }
0x1eb: {  	v2 =	vadd.f32 v2, v3  }
0x1ec: {  	s5 =	sor.u32 $0x20, s1  }
0x1ed: {  	s9 =	sor.u32 s5, s0;
	[tilespmem:s12+$0x0] =	vst v2;
	s12 =	sor.u32 s5, s30  }
0x1ee: {  	v2 =	vld [tilespmem:s9+$0x0]  }
0x1ef: {  	v3 =	vld [tilespmem:s12+$0x0];
	_ =	sdelay $0x4  }
0x1f0: {  	v3 =	vsub.f32 v3, v2  }
0x1f1: {  	v5 =	vld [tilespmem:s26+$0xFFFFFFF0]  }
0x1f2: {  	v3 =	vmul.f32 v3, v0;
	_ =	sdelay $0x1  }
0x1f3: {  	v2 =	vadd.f32 v3, v2;
	_ =	sdelay $0x1  }
0x1f4: {  	v3 =	vsub.f32 v2, v4;
	_ =	sdelay $0x1  }
0x1f5: {  	v3 =	vmul.f32 v3, v5  }
0x1f6: {  	s5 =	sor.u32 s5, s14  }
0x1f7: {  	v3 =	vadd.f32 v3, v4  }
0x1f8: {  	s1 =	sor.u32 $0x30, s1  }
0x1f9: {  	s0 =	sor.u32 s1, s0;
	[tilespmem:s5+$0x0] =	vst v3;
	s5 =	sor.u32 s1, s30  }
0x1fa: {  	v3 =	vld [tilespmem:s0+$0x0]  }
0x1fb: {  	v4 =	vld [tilespmem:s5+$0x0]  }
0x1fc: {  	v5 =	vld [tilespmem:s26+$0x0];
	_ =	sdelay $0x3  }
0x1fd: {  	v4 =	vsub.f32 v4, v3;
	_ =	sdelay $0x1  }
0x1fe: {  	v4 =	vmul.f32 v4, v0;
	_ =	sdelay $0x1  }
.Ltmp4:
0x1ff: {  	v3 =	vadd.f32 v4, v3;
	(pc) =	sbr.rel @p0 .LBB2_12-.Ltmp4, $3  }
0x200: {  	_ = 	snop  }
0x201: {  	v4 =	vsub.f32 v3, v1;
	_ =	sdelay $0x1  }
0x202: {  	s14 =	sor.u32 s1, s14;
	v4 =	vmul.f32 v4, v5  }
0x203: {  	_ = 	snop  }
0x204: {  	v1 =	vadd.f32 v4, v1;
	_ =	sdelay $0x1  }
0x205: {  	[tilespmem:s14+$0x0] =	vst v1  }
0x206: {  	v1 =	vld [tilespmem:s24+$0x0]  }
0x207: {  	v2 =	vld [tilespmem:s24+$0xC00]  }
0x208: {  	v3 =	vld [tilespmem:s24+$0x20]  }
0x209: {  	v26 =	vld [tilespmem:s24+$0xC20];
	_ =	sdelay $0x4  }
0x20a: {  	v2 =	vsub.f32 v2, v1;
	v4 =	vsub.f32 v26, v3;
	_ =	sdelay $0x1  }
0x20b: {  	v2 =	vmul.f32 v2, v0;
	v4 =	vmul.f32 v4, v0;
	_ =	sdelay $0x1  }
0x20c: {  	v1 =	vadd.f32 v2, v1;
	v27 =	vadd.f32 v4, v3;
	_ =	sdelay $0x1  }
0x20d: {  	v2 =	vsub.f32 v27, v1;
	_ =	sdelay $0x1  }
0x20e: {  	v2 =	vmul.f32 $0.0e+00, v2;
	_ =	sdelay $0x1  }
0x20f: {  	v1 =	vadd.f32 v2, v1;
	_ =	sdelay $0x1  }
0x210: {  	[tilespmem:s23+$0x13800] =	vst v1  }
0x211: {  	v1 =	vld [tilespmem:s24+$0x10]  }
0x212: {  	v28 =	vld [tilespmem:s24+$0xC10]  }
0x213: {  	v29 =	vld [tilespmem:s24+$0x30]  }
0x214: {  	v30 =	vld [tilespmem:s24+$0xC30];
	_ =	sdelay $0x4  }
0x215: {  	v2 =	vsub.f32 v28, v1;
	v4 =	vsub.f32 v30, v29;
	_ =	sdelay $0x1  }
0x216: {  	v2 =	vmul.f32 v2, v0;
	v4 =	vmul.f32 v4, v0;
	_ =	sdelay $0x1  }
0x217: {  	v1 =	vadd.f32 v2, v1;
	v31 =	vadd.f32 v4, v29;
	_ =	sdelay $0x1  }
0x218: {  	v2 =	vsub.f32 v31, v1;
	_ =	sdelay $0x1  }
0x219: {  	v2 =	vmul.f32 $0.0e+00, v2;
	_ =	sdelay $0x1  }
0x21a: {  	v1 =	vadd.f32 v2, v1;
	_ =	sdelay $0x1  }
0x21b: {  	[tilespmem:s23+$0x13810] =	vst v1  }
0x21c: {  	v1 =	vld [tilespmem:s24+$0x40]  }
0x21d: {  	v32 =	vld [tilespmem:s24+$0xC40]  }
0x21e: {  	v33 =	vld [tilespmem:s24+$0x60]  }
0x21f: {  	v34 =	vld [tilespmem:s24+$0xC60];
	_ =	sdelay $0x4  }
0x220: {  	v2 =	vsub.f32 v32, v1;
	v4 =	vsub.f32 v34, v33;
	_ =	sdelay $0x1  }
0x221: {  	v2 =	vmul.f32 v2, v0;
	v4 =	vmul.f32 v4, v0;
	_ =	sdelay $0x1  }
0x222: {  	v1 =	vadd.f32 v2, v1;
	v35 =	vadd.f32 v4, v33;
	_ =	sdelay $0x1  }
0x223: {  	v2 =	vsub.f32 v35, v1;
	_ =	sdelay $0x1  }
0x224: {  	v2 =	vmul.f32 $1.953125000e-02, v2;
	_ =	sdelay $0x1  }
0x225: {  	v1 =	vadd.f32 v2, v1;
	_ =	sdelay $0x1  }
0x226: {  	[tilespmem:s23+$0x13840] =	vst v1  }
0x227: {  	v1 =	vld [tilespmem:s24+$0x50]  }
0x228: {  	v36 =	vld [tilespmem:s24+$0xC50]  }
0x229: {  	v37 =	vld [tilespmem:s24+$0x70]  }
0x22a: {  	v38 =	vld [tilespmem:s24+$0xC70];
	_ =	sdelay $0x4  }
0x22b: {  	v2 =	vsub.f32 v36, v1;
	v4 =	vsub.f32 v38, v37;
	_ =	sdelay $0x1  }
0x22c: {  	v2 =	vmul.f32 v2, v0;
	v4 =	vmul.f32 v4, v0;
	_ =	sdelay $0x1  }
0x22d: {  	v1 =	vadd.f32 v2, v1;
	v39 =	vadd.f32 v4, v37;
	_ =	sdelay $0x1  }
0x22e: {  	v2 =	vsub.f32 v39, v1;
	_ =	sdelay $0x1  }
0x22f: {  	v2 =	vmul.f32 $1.953125000e-02, v2;
	_ =	sdelay $0x1  }
0x230: {  	v1 =	vadd.f32 v2, v1;
	_ =	sdelay $0x1  }
0x231: {  	[tilespmem:s23+$0x13850] =	vst v1  }
0x232: {  	v1 =	vld [tilespmem:s24+$0x80]  }
0x233: {  	v40 =	vld [tilespmem:s24+$0xC80]  }
0x234: {  	v41 =	vld [tilespmem:s24+$0xA0]  }
0x235: {  	v42 =	vld [tilespmem:s24+$0xCA0];
	_ =	sdelay $0x4  }
0x236: {  	v2 =	vsub.f32 v40, v1;
	v4 =	vsub.f32 v42, v41;
	_ =	sdelay $0x1  }
0x237: {  	v2 =	vmul.f32 v2, v0;
	v4 =	vmul.f32 v4, v0;
	_ =	sdelay $0x1  }
0x238: {  	v1 =	vadd.f32 v2, v1;
	v43 =	vadd.f32 v4, v41;
	_ =	sdelay $0x1  }
0x239: {  	v2 =	vsub.f32 v43, v1;
	_ =	sdelay $0x1  }
0x23a: {  	v2 =	vmul.f32 $3.906250000e-02, v2;
	_ =	sdelay $0x1  }
0x23b: {  	v1 =	vadd.f32 v2, v1;
	_ =	sdelay $0x1  }
0x23c: {  	[tilespmem:s23+$0x13880] =	vst v1  }
0x23d: {  	v1 =	vld [tilespmem:s24+$0x90]  }
0x23e: {  	v44 =	vld [tilespmem:s24+$0xC90]  }
0x23f: {  	v45 =	vld [tilespmem:s24+$0xB0]  }
0x240: {  	v46 =	vld [tilespmem:s24+$0xCB0];
	_ =	sdelay $0x4  }
0x241: {  	v2 =	vsub.f32 v44, v1;
	v4 =	vsub.f32 v46, v45;
	_ =	sdelay $0x1  }
0x242: {  	v2 =	vmul.f32 v2, v0;
	v4 =	vmul.f32 v4, v0;
	_ =	sdelay $0x1  }
0x243: {  	v1 =	vadd.f32 v2, v1;
	v47 =	vadd.f32 v4, v45;
	_ =	sdelay $0x1  }
0x244: {  	v2 =	vsub.f32 v47, v1;
	_ =	sdelay $0x1  }
0x245: {  	v2 =	vmul.f32 $3.906250000e-02, v2;
	_ =	sdelay $0x1  }
0x246: {  	v1 =	vadd.f32 v2, v1;
	_ =	sdelay $0x1  }
0x247: {  	[tilespmem:s23+$0x13890] =	vst v1  }
0x248: {  	v1 =	vld [tilespmem:s24+$0xB20]  }
0x249: {  	v48 =	vld [tilespmem:s24+$0x1720]  }
0x24a: {  	v49 =	vld [tilespmem:s24+$0xB40]  }
0x24b: {  	v50 =	vld [tilespmem:s24+$0x1740];
	_ =	sdelay $0x4  }
0x24c: {  	v2 =	vsub.f32 v48, v1;
	v4 =	vsub.f32 v50, v49;
	_ =	sdelay $0x1  }
0x24d: {  	v2 =	vmul.f32 v2, v0;
	v4 =	vmul.f32 v4, v0;
	_ =	sdelay $0x1  }
0x24e: {  	v1 =	vadd.f32 v2, v1;
	v51 =	vadd.f32 v4, v49;
	_ =	sdelay $0x1  }
0x24f: {  	v2 =	vsub.f32 v51, v1;
	_ =	sdelay $0x1  }
0x250: {  	v2 =	vmul.f32 $9.609375000e-01, v2;
	_ =	sdelay $0x1  }
0x251: {  	v1 =	vadd.f32 v2, v1;
	_ =	sdelay $0x1  }
0x252: {  	[tilespmem:s23+$0x14360] =	vst v1  }
0x253: {  	v1 =	vld [tilespmem:s24+$0xB30]  }
0x254: {  	v52 =	vld [tilespmem:s24+$0x1730]  }
0x255: {  	v53 =	vld [tilespmem:s24+$0xB50]  }
0x256: {  	v54 =	vld [tilespmem:s24+$0x1750];
	_ =	sdelay $0x4  }
0x257: {  	v2 =	vsub.f32 v52, v1;
	v4 =	vsub.f32 v54, v53;
	_ =	sdelay $0x1  }
0x258: {  	v2 =	vmul.f32 v2, v0;
	v4 =	vmul.f32 v4, v0;
	_ =	sdelay $0x1  }
0x259: {  	v1 =	vadd.f32 v2, v1;
	v55 =	vadd.f32 v4, v53;
	_ =	sdelay $0x1  }
0x25a: {  	v2 =	vsub.f32 v55, v1;
	_ =	sdelay $0x1  }
0x25b: {  	v2 =	vmul.f32 $9.609375000e-01, v2;
	_ =	sdelay $0x1  }
0x25c: {  	v1 =	vadd.f32 v2, v1;
	_ =	sdelay $0x1  }
0x25d: {  	[tilespmem:s23+$0x14370] =	vst v1  }
0x25e: {  	v1 =	vld [tilespmem:s24+$0xB60]  }
0x25f: {  	v56 =	vld [tilespmem:s24+$0x1760]  }
0x260: {  	v57 =	vld [tilespmem:s24+$0xB80]  }
0x261: {  	v58 =	vld [tilespmem:s24+$0x1780];
	_ =	sdelay $0x4  }
0x262: {  	v2 =	vsub.f32 v56, v1;
	v4 =	vsub.f32 v58, v57;
	_ =	sdelay $0x1  }
0x263: {  	v2 =	vmul.f32 v2, v0;
	v4 =	vmul.f32 v4, v0;
	_ =	sdelay $0x1  }
0x264: {  	v1 =	vadd.f32 v2, v1;
	v59 =	vadd.f32 v4, v57;
	_ =	sdelay $0x1  }
0x265: {  	v2 =	vsub.f32 v59, v1;
	_ =	sdelay $0x1  }
0x266: {  	v2 =	vmul.f32 $9.804687500e-01, v2;
	_ =	sdelay $0x1  }
0x267: {  	v1 =	vadd.f32 v2, v1;
	_ =	sdelay $0x1  }
0x268: {  	[tilespmem:s23+$0x143A0] =	vst v1  }
0x269: {  	v1 =	vld [tilespmem:s24+$0xB70]  }
0x26a: {  	v60 =	vld [tilespmem:s24+$0x1770]  }
0x26b: {  	v61 =	vld [tilespmem:s24+$0xB90]  }
0x26c: {  	v62 =	vld [tilespmem:s24+$0x1790];
	_ =	sdelay $0x4  }
0x26d: {  	v2 =	vsub.f32 v60, v1;
	v4 =	vsub.f32 v62, v61;
	_ =	sdelay $0x1  }
0x26e: {  	v2 =	vmul.f32 v2, v0;
	v63 =	vmul.f32 v4, v0;
	_ =	sdelay $0x1  }
0x26f: {  	v1 =	vadd.f32 v2, v1;
	v0 =	vadd.f32 v63, v61;
	_ =	sdelay $0x1  }
0x270: {  	s20 =	sadd.s32 $0x1, s20;
	v0 =	vsub.f32 v0, v1  }
0x271: {  	p0 =	sne.s32 s20, $0xC  }
.Ltmp5:
0x272: {  	v0 =	vmul.f32 $9.804687500e-01, v0;
	(pc) =	sbr.rel @p0 .LBB2_11-.Ltmp5, $3  }
0x273: {  	_ = 	snop  }
0x274: {  	v0 =	vadd.f32 v0, v1;
	_ =	sdelay $0x1  }
0x275: {  	s21 =	sadd.s32 $0xC00, s21;
	s22 =	sadd.s32 $0xC00, s22;
	[tilespmem:s23+$0x143B0] =	vst v0  }
0x276: {  	s0 =	sadd.s32 s4, s19  }
0x277: {  	s18 =	sadd.s32 $0x1, s18;
	s0 =	smul.u32 $0x180, s0  }
0x278: {  	p0 =	sne.s32 s18, $0x10  }
.Ltmp6:
0x279: {  	s0 =	sadd.s32 s6, s0;
	(pc) =	sbr.rel @p0 .LBB2_2-.Ltmp6, $4  }
0x27a: {  	[hbm4b:s0+s3] =	stream.linear.scatter [tilespmem:s16], [sflag:$0x1], $0x9000, $0x38;
	[tilespmem:$0x1DC00] =	vst v63  }
0x27b: {  	_ =	swait.ge [sflag:s8], $0x9000  }
0x27c: {  	[sflag:s8] =	ssyncset.done $0x0  }
0x27d: {  	[sflag:s8] =	ssyncadd.s32 $0xFFFF7000  }
0x27e: {  	s17 =	sadd.s32 $0x1, s17;
	s0 =	rddreg [dreg:$0x6]  }
0x27f: {  	p0 =	sne.s32 s17, s0  }
.Ltmp7:
0x280: {  	_ = 	snop;
	(pc) =	sbr.rel @p0 .LBB2_1-.Ltmp7, $1  }
0x281: {  	_ =	sdelay $0x3  }
0x282: {  	_ =	sfence.sel $0x180000  }
0x283: {  	[bflag:$0x0] =	sbarrier.arrive $0xFFFF  }
0x284: {  	_ =	strace $0x90000047  }
0x285: {  	s0 =	stileid.u32;
	[bflag:$0x2] =	sbarrier.arrive $0xFFFF  }
0x286: {  	p0 =	sne.s32 s0, $0x0;
	s0 =	rddreg [dreg:$0x2]  }
0x287: {  	s0 =	sadd.s32 @!p0 $0x100000, s0  }
0x288: {  	[sflag:s0] =	ssyncadd.tile.s32 @!p0 $0x1;
	_ =	shalt  }
.Lfunc_end2:
_tile_overlayer_lowered:
.L_overlay_start_2:
0x289: {  	(tag) =	ssettag $0x2  }
0x28a: {  	s0 =	rddreg [dreg:$0x0];
	s2 =	stileid.u32  }
0x28b: {  	s1 =	rddreg [dreg:$0x1];
	p0 =	sne.s32 s2, $0x0  }
0x28c: {  	s3 =	rddreg [dreg:$0x2];
	[bflag:$0x3] =	sbarrier.arrive $0xFFFF;
	s2 =	simm.s32 @!p0 $0x1C01  }
0x28d: {  	[timem:s3], [sflag:s2] =	dma.local @!p0 [hbm:s0], s1  }
0x28e: {  	s0 =	simm.s32 @!p0 $0x1  }
0x28f: {  	_ =	swait.ge @!p0 [sflag:s0], s1  }
0x290: {  	s1 =	ssub.s32 @!p0 $0x0, s1;
	[sflag:s0] =	ssyncset.done @!p0 $0x0  }
0x291: {  	[sflag:s0] =	ssyncadd.s32 @!p0 s1  }
0x292: {  	[bflag:$0x3] =	sbarrier.arrive $0xFFFF  }
0x293: {  	_ =	shalt  }

// kernel: sparse-core-data-format-call.cloned.1.call-start
scs
called_computation_lowered:
.L_overlay_start_0:
0x0: {  	s2 =	sld [smem:$0x3FD9]  }
0x1: {  	s3 =	sld [smem:$0x3FFE];
	_ =	sdelay $0x1  }
0x2: {  	s1 =	srdreg.scid  }
0x3: {  	s0 =	sand.u32 $0x1, s1  }
0x4: {  	s18 =	sshll.u32 s0, $0xA;
	s2 =	sadd.s32 s3, s2  }
0x5: {  	s2 =	sadd.s32 s2, s18  }
0x6: {  	[smem:$0x3FC7] =	sst s2  }
0x7: {  	_ = 	snop  }
0x8: {  	s2 =	sld [smem:$0x3FD0];
	(tm) =	ssettm $0x1  }
0x9: {  	s19 =	sld [smem:$0x3FFB];
	_ =	sdelay $0x3  }
0xa: {  	_ =	strace s19  }
0xb: {  	s3 =	sld [smem:$0x3FFC];
	_ =	sdelay $0x3  }
0xc: {  	_ =	strace s3  }
0xd: {  	s3 =	sld [smem:$0x3FFD];
	_ =	sdelay $0x3  }
0xe: {  	_ =	strace s3  }
0xf: {  	_ =	strace $0x8FFFFFFF  }
0x10: {  	s20 =	sld [smem:$0x3FDB];
	_ =	sdelay $0x1  }
0x11: {  	s4 =	simm.s32 $_scs_section_size  }
0x12: {  	s5 =	simm.s32 $_size__tile_overlayer_lowered;
	s6 =	simm.s32 $_tile_overlayer_lowered  }
0x13: {  	s23 =	simm.s32 $0x1BFF;
	s22 =	sshll.u32 s6, $0x1;
	s3 =	sadd.s32 s4, s20  }
0x14: {  	s7 =	simm.s32 $0x0;
	s21 =	sshll.u32 s5, $0x1;
	s5 =	sadd.s32 s22, s3  }
0x15: {  	[timem:s7], [sflag:s23] =	dma.local [hbm:s5], s21  }
0x16: {  	_ =	swait.ge [sflag:s23], s21  }
0x17: {  	s4 =	ssub.s32 $0x0, s21;
	[sflag:s23] =	ssyncset.done $0x0  }
0x18: {  	[sflag:s23] =	ssyncadd.s32 s4;
	_ =	sdelay $0x1  }
0x19: {  	s24 =	simm.s32 $0x1B8B  }
0x1a: {  	_ =	swait.ge [sflag:s24], $0x1  }
0x1b: {  	[sflag:s24] =	ssyncset.done $0x0  }
0x1c: {  	s26 =	simm.s32 $0x1B8E;
	s25 =	sld [smem:$0x3FFE];
	[sflag:s24] =	ssyncadd.s32 $0xFFFFFFFF  }
0x1d: {  	s27 =	simm.s32 $execute0_lowered;
	[smem:$0x3FD2] =	sst s26  }
0x1e: {  	s5 =	sshll.u32 s27, $0x1;
	_ =	strace $0x80000049;
	[dreg:$0x1] =	wrdreg $0xFFFFFFFF  }
0x1f: {  	s28 =	simm.s32 $_size_execute0_lowered;
	s3 =	sadd.s32 s3, s5;
	[dreg:$0x0] =	wrdreg $0x0  }
0x20: {  	s5 =	sshll.u32 s28, $0x1;
	[dreg:$0x2] =	wrdreg s3  }
0x21: {  	[dreg:$0x3] =	wrdreg s5  }
0x22: {  	[dreg:$0x4] =	wrdreg $0xC0  }
0x23: {  	_ =	task [dreg:s7], $0x5FFFF  }
0x24: {  	[dreg:$0x1] =	wrdreg $0xFFFFFFFF  }
0x25: {  	[dreg:$0x0] =	wrdreg $0x60  }
0x26: {  	[dreg:$0x2] =	wrdreg s25  }
0x27: {  	[dreg:$0x3] =	wrdreg s2  }
0x28: {  	[dreg:$0x4] =	wrdreg $0x9  }
0x29: {  	_ =	task.clear_ibuf [dreg:s7], $0x5FFFF;
	_ =	strace $0x90000049  }
0x2a: {  	s29 =	simm.s32 $0x9;
	_ =	strace $0x8000004B  }
0x2b: {  	_ =	swait.ge [sflag:s29], $0x1  }
0x2c: {  	[sflag:s29] =	ssyncadd.s32 $0xFFFFFFFF  }
0x2d: {  	_ =	strace $0x9000004B  }
0x2e: {  	_ =	sfence  }
0x2f: {  	s30 =	sld [smem:$0x0];
	_ =	sdelay $0x2  }
0x30: {  	s31 =	sshll.u32 s1, $0xD;
	s1 =	sshrl.u32 s1, $0x2  }
0x31: {  	s3 =	sand.u32 $0x4000, s31;
	s1 =	sadd.s32 s1, s30  }
0x32: {  	s0 =	sor.u32 s3, s0;
	s1 =	sshll.u32 s1, $0x11  }
0x33: {  	s0 =	sor.u32 s1, s0  }
0x34: {  	s0 =	sadd.s32 $0x8F2B, s0  }
0x35: {  	[sflag:s0] =	ssyncadd.remote.s32 $0x1  }
0x36: {  	_ =	sfence.sel $0xFFFF  }
0x37: {  	[dreg:$0x0] =	wrdreg $0xFFFFFFFF;
	(pc) =	sbr.abs _section_cstart, $3  }
0x38: {  	[dreg:$0x1] =	wrdreg $0xFFFFFFFF  }
0x39: {  	_ =	task.clear_ibuf [dreg:s7], $0x2FFFF;
	_ =	strace $0x9FFFFFFF  }
0x3a: {  	(tm) =	ssettm $0x7FFFFFFF  }
0x3b: {  	_ =	shalt  }
tec
execute0_lowered:
.L_overlay_start_1:
0x0: {  	(tag) =	ssettag $0x1  }
0x1: {  	s3 =	rddreg [dreg:$0x0]  }
0x2: {  	s2 =	rddreg [dreg:$0x1]  }
0x3: {  	s1 =	srdreg.scid;
	s0 =	rddreg [dreg:$0x2];
	_ =	strace $0x8000004A  }
0x4: {  	s7 =	simm.s32 $0x2;
	p0 =	por $0x0, $0x0;
	s12 =	simm.s32 $0x0  }
0x5: {  	s13 =	simm.s32 $0x0;
	s14 =	simm.s32 $0x0;
	s9 =	simm.s32 $0x0  }
.Ltmp0:
0x6: {  	s8 =	simm.s32 $0x0;
	s4 =	sshll.u32 s1, $0x4;
	(pc) =	sbr.rel .LBB1_1-.Ltmp0, $4  }
0x7: {  	s1 =	stileid.u32;
	s3 =	sadd.s32 $0x480E00, s3;
	s4 =	sand.u32 $0x10, s4  }
0x8: {  	s5 =	sand.u32 $0x3, s1;
	s6 =	sor.u32 s1, s4;
	s4 =	simm.s32 $0x1  }
0x9: {  	s11 =	smov.u32 s5;
	[sflag:s4] =	ssyncpa.u1 $0x0;
	s6 =	sshrl.u32 s6, $0x2  }
0xa: {  	[sflag:s7] =	ssyncpa.u1 $0x0;
	s7 =	simm.s32 $0x0;
	s10 =	smov.u32 s6  }
.LBB1_5:
0xb: {  	s15 =	sadd.s32 $0x1, s9  }
0xc: {  	s12 =	sadd.s32 $0x8, s10;
	s16 =	smov.u32 s10;
	p2 =	sgt.s32 s15, $0x5F  }
0xd: {  	s16 =	smov.u32 @p2 s12  }
0xe: {  	s18 =	smov.u32 s11;
	s12 =	sadd.s32 $0x4, s11;
	p3 =	sgt.s32 s16, $0x1F  }
0xf: {  	p1 =	slt.u32 s8, $0x2;
	s18 =	smov.u32 @p3 s12  }
0x10: {  	s8 =	sadd.s32 $0x1, s8;
	s15 =	simm.s32 @p2 $0x0;
	p2 =	sgt.s32 s18, $0x3  }
0x11: {  	s18 =	smov.u32 @p2 s5;
	p2 =	sne.s32 s8, $0x182  }
.Ltmp1:
0x12: {  	s17 =	simm.s32 @!p1 $0x2;
	(pc) =	sbr.rel @!p2 .LBB1_6-.Ltmp1, $4  }
0x13: {  	s13 =	smov.u32 s10;
	_ =	swait.ge @!p1 [sflag:s17], $0x1000  }
0x14: {  	s14 =	smov.u32 s11;
	p0 =	por !p0, !p0;
	[sflag:s17] =	ssyncset.done @!p1 $0x0  }
0x15: {  	s16 =	smov.u32 @p3 s6;
	s12 =	smov.u32 s9;
	[sflag:s17] =	ssyncadd.s32 @!p1 $0xFFFFF000  }
0x16: {  	s9 =	smov.u32 s15;
	s10 =	smov.u32 s16;
	s11 =	smov.u32 s18  }
.LBB1_1:
0x17: {  	p1 =	sgt.u32 s8, $0x17F  }
0x18: {  	s15 =	smov.u32 s11;
	p2 =	sgt.s32 @!p1 s11, $0x3  }
0x19: {  	s17 =	smov.u32 s10;
	s16 =	sshra.s32 @!p1 s11, $0x1F;
	p2 =	por !p2, p1  }
0x1a: {  	s16 =	sand.u32 @!p1 s16, s11;
	s15 =	simm.s32 @p2 $0x3;
	p2 =	sgt.s32 @!p1 s10, $0x1F  }
0x1b: {  	s18 =	sshra.s32 @!p1 s10, $0x1F;
	s15 =	ssub.s32 @!p1 s15, s16;
	p3 =	por !p2, p1  }
0x1c: {  	s19 =	sshra.s32 @!p1 s9, $0x1F;
	s16 =	sadd.s32 @!p1 $0xFFFFFFFD, s15;
	s17 =	simm.s32 @p3 $0x1F  }
0x1d: {  	p3 =	sgt.s32 @!p1 s9, $0x5F;
	p2 =	sgt.s32 @!p1 s16, $0x0;
	s16 =	sand.u32 @!p1 s18, s10  }
0x1e: {  	s15 =	ssub.s32 @!p1 $0x4, s15;
	p3 =	por !p3, p1;
	s16 =	ssub.s32 @!p1 s17, s16  }
0x1f: {  	s18 =	smov.u32 s9;
	s15 =	smul.u32 @!p1 $0x3000, s15;
	s17 =	sadd.s32 @!p1 $0xFFFFFFE1, s16  }
0x20: {  	s18 =	simm.s32 @p3 $0x5F;
	p2 =	por !p2, p1;
	p3 =	sgt.s32 @!p1 s17, $0x0  }
0x21: {  	s16 =	ssub.s32 @!p1 $0x20, s16;
	s17 =	sand.u32 @!p1 s19, s9;
	p3 =	por !p3, p1  }
0x22: {  	s15 =	simm.s32 @!p2 $0x0;
	s17 =	ssub.s32 @!p1 s18, s17;
	s16 =	simm.s32 @!p3 $0x0  }
0x23: {  	s18 =	sadd.s32 @!p1 $0xFFFFFFA1, s17;
	s15 =	smul.u32 @!p1 s16, s15  }
0x24: {  	p3 =	sgt.s32 @!p1 s18, $0x0;
	s16 =	smul.u32 @!p1 $0x480000, s11  }
0x25: {  	s17 =	ssub.s32 @!p1 $0x60, s17;
	s18 =	smul.u32 @!p1 $0x24000, s10;
	p2 =	por !p3, p1  }
0x26: {  	s19 =	smul.u32 @!p1 $0x600, s9;
	s17 =	simm.s32 @!p2 $0x0;
	s16 =	sadd.s32 @!p1 s3, s16  }
0x27: {  	s15 =	smul.u32 @!p1 s17, s15;
	s17 =	sxor.u32 @!p1 $0xFFFFFFFF, s8;
	s16 =	sadd.s32 @!p1 s18, s16  }
0x28: {  	s18 =	simm.s32 @!p1 $0x20;
	s17 =	sshll.u32 @!p1 s17, $0xC;
	s16 =	sadd.s32 @!p1 s19, s16  }
0x29: {  	s19 =	simm.s32 @!p1 $0x80;
	s17 =	sand.u32 @!p1 $0x1000, s17;
	s15 =	sshrl.u32 @!p1 s15, $0x2  }
0x2a: {  	[tilespmem:s17], [sflag:$0x1] =	stream.strided.gather @!p1 [hbm4b:s16+s18], s15, s19, s18, $0x38;
	[tilespmem:$0x4040] =	vst v63  }
0x2b: {  	p1 =	seq.s32 s8, $0x0  }
0x2c: {  	p2 =	seq.s32 @!p1 s8, $0x181  }
0x2d: {  	p1 =	por p1, p2  }
.Ltmp2:
0x2e: {  	_ = 	snop;
	(pc) =	sbr.rel @p1 .LBB1_5-.Ltmp2, $1  }
0x2f: {  	_ =	sdelay $0x3  }
0x30: {  	p1 =	sgt.s32 s14, $0x3  }
0x31: {  	s15 =	smov.u32 s14;
	s16 =	sshra.s32 s14, $0x1F;
	s17 =	sshra.s32 s13, $0x1F  }
0x32: {  	p2 =	sgt.s32 s12, $0x5F;
	s19 =	sshra.s32 s12, $0x1F;
	s15 =	simm.s32 @!p1 $0x3  }
0x33: {  	s16 =	sand.u32 s16, s14;
	p1 =	sgt.s32 s13, $0x1F;
	s17 =	sand.u32 s17, s13  }
0x34: {  	s19 =	sand.u32 s19, s12;
	s15 =	ssub.s32 s15, s16;
	s16 =	smov.u32 s13  }
0x35: {  	s18 =	sadd.s32 $0xFFFFFFFD, s15;
	s16 =	simm.s32 @!p1 $0x1F;
	s15 =	ssub.s32 $0x4, s15  }
0x36: {  	p1 =	sgt.s32 s18, $0x0;
	s16 =	ssub.s32 s16, s17;
	s18 =	smov.u32 s12  }
0x37: {  	s15 =	smul.u32 $0x3000, s15;
	s17 =	sadd.s32 $0xFFFFFFE1, s16;
	s18 =	simm.s32 @!p2 $0x5F  }
0x38: {  	s16 =	ssub.s32 $0x20, s16;
	p2 =	sgt.s32 s17, $0x0;
	s25 =	ssub.s32 s18, s19  }
0x39: {  	s15 =	simm.s32 @p1 $0x0;
	s16 =	simm.s32 @p2 $0x0;
	s18 =	sadd.s32 $0xFFFFFFA1, s25  }
0x3a: {  	s17 =	ssub.s32 $0x60, s25;
	p1 =	sgt.s32 s18, $0x0;
	s15 =	smul.u32 s16, s15  }
0x3b: {  	s17 =	simm.s32 @p1 $0x0  }
0x3c: {  	s15 =	smul.u32 s17, s15;
	_ =	sdelay $0x1  }
0x3d: {  	s16 =	simm.s32 $0x1;
	s15 =	sshrl.u32 s15, $0x2  }
0x3e: {  	s16 =	simm.s32 @!p0 $0x0;
	_ =	swait.ge [sflag:s4], s15  }
0x3f: {  	s26 =	sshll.u32 s16, $0xC;
	s15 =	ssub.s32 $0x0, s15;
	[sflag:s4] =	ssyncset.done $0x0  }
0x40: {  	s27 =	sor.u32 $0x10, s26;
	[sflag:s4] =	ssyncadd.s32 s15  }
0x41: {  	s28 =	smul.u32 $0x4080, s16;
	v1 =	vld [tilespmem:s27+$0x0]  }
0x42: {  	s29 =	sand.u32 $0x1, s8;
	v0 =	vld [tilespmem:s27+$0xFFFFFFF0]  }
0x43: {  	s30 =	smul.u32 $0x4080, s29;
	s15 =	sshrl.u32 s28, $0x2  }
0x44: {  	s16 =	sor.u32 $0x2000, s15  }
0x45: {  	s31 =	sshrl.u32 s30, $0x2;
	s18 =	sadd.s32 $0x0, s16  }
0x46: {  	s17 =	simm.s32 $0x4;
	s19 =	sadd.s32 $0x20, s27;
	s15 =	sor.u32 $0x2000, s31;
	[tilespmem:s18+$0x810 ss:$0x81] =	vst.msk $0xffff, v1  }
.LBB1_3:
0x47: {  	v1 =	vld [tilespmem:s19+$0x0];
	p1 =	sne.s32 s17, $0x1FC;
	[tilespmem:s18+$0x0 ss:$0x81] =	vst.msk $0xffff, v0;
	s18 =	smov.u32 s17;
	s17 =	sadd.s32 $0x4, s17  }
.Ltmp3:
0x48: {  	v0 =	vld [tilespmem:s19+$0xFFFFFFF0];
	(pc) =	sbr.rel @p1 .LBB1_3-.Ltmp3, $4  }
0x49: {  	_ = 	snop  }
0x4a: {  	s18 =	sshra.s32 s18, $0x2  }
0x4b: {  	s18 =	sadd.s32 s18, s16  }
0x4c: {  	s19 =	sadd.s32 $0x20, s19;
	[tilespmem:s18+$0x810 ss:$0x81] =	vst.msk $0xffff, v1  }
0x4d: {  	s14 =	smul.u32 $0x180000, s14  }
0x4e: {  	s13 =	smul.u32 $0xC000, s13  }
.Ltmp4:
0x4f: {  	_ = 	snop;
	(pc) =	sbr.rel .LBB1_5-.Ltmp4, $4  }
0x50: {  	s14 =	sadd.s32 s2, s14  }
0x51: {  	s12 =	sshll.u32 s12, $0x9;
	s13 =	sadd.s32 s13, s14  }
0x52: {  	[tilespmem:s18+$0x0 ss:$0x81] =	vst.msk $0xffff, v0;
	s12 =	sadd.s32 s12, s13  }
0x53: {  	[hbm4b:s12+s7] =	stream.linear.scatter [tilespmem:s15], [sflag:$0x2], $0x1000, $0x20;
	[tilespmem:$0x4040] =	vst v63  }
.LBB1_6:
0x54: {  	_ =	sfence.sel $0x180000  }
0x55: {  	s2 =	simm.s32 $0x1;
	[bflag:$0x0] =	sbarrier.arrive $0xFFFF  }
0x56: {  	s31 =	simm.s32 $0x2;
	[sflag:s2] =	ssyncpa.u1 $0x1  }
0x57: {  	[sflag:s31] =	ssyncpa.u1 $0x1  }
0x58: {  	p0 =	sne.s32 s1, $0x0;
	_ =	strace $0x9000004A  }
0x59: {  	s0 =	sadd.s32 @!p0 $0x100000, s0;
	[bflag:$0x2] =	sbarrier.arrive $0xFFFF  }
0x5a: {  	[sflag:s0] =	ssyncadd.tile.s32 @!p0 $0x1;
	_ =	shalt  }
.Lfunc_end1:
_tile_overlayer_lowered:
.L_overlay_start_2:
0x5b: {  	(tag) =	ssettag $0x2  }
0x5c: {  	s0 =	rddreg [dreg:$0x0];
	s2 =	stileid.u32  }
0x5d: {  	s1 =	rddreg [dreg:$0x1];
	p0 =	sne.s32 s2, $0x0  }
0x5e: {  	s3 =	rddreg [dreg:$0x2];
	[bflag:$0x3] =	sbarrier.arrive $0xFFFF;
	s2 =	simm.s32 @!p0 $0x1C01  }
0x5f: {  	[timem:s3], [sflag:s2] =	dma.local @!p0 [hbm:s0], s1  }
0x60: {  	s0 =	simm.s32 @!p0 $0x1  }
0x61: {  	_ =	swait.ge @!p0 [sflag:s0], s1  }
0x62: {  	s1 =	ssub.s32 @!p0 $0x0, s1;
	[sflag:s0] =	ssyncset.done @!p0 $0x0  }
0x63: {  	[sflag:s0] =	ssyncadd.s32 @!p0 s1  }
0x64: {  	[bflag:$0x3] =	sbarrier.arrive $0xFFFF  }
0x65: {  	_ =	shalt  }

</sc_bundles>
